<compile_context>
chip_gen: v7x
topology: tpu7x:2x2x1
jax: 0.10.2.dev20260603
libtpu: 0.0.44.dev20260713+nightly
codegen_flags: <defaults>
</compile_context>

<pallas_src>
import functools

import jax
import jax.numpy as jnp
from jax import lax
from jax.experimental import pallas as pl
from jax.experimental.pallas import tpu as pltpu
from jax.experimental.pallas import tpu_sc as plsc

N = 320000
D = 128
S = 10000
C = 128
NCHUNK = N // C
NC = 2
NS = 16
NW = NC * NS
ITERS = (NCHUNK + NW - 1) // NW
SLAB = 632
SLAB_LAST = S - (NS - 1) * SLAB
ZROWS = 128


def _sc_partials(x, batch):
    mesh = plsc.VectorSubcoreMesh(core_axis_name="c", subcore_axis_name="s")

    @functools.partial(
        pl.kernel,
        mesh=mesh,
        out_type=jax.ShapeDtypeStruct((NC, S, D), jnp.float32),
        scratch_types=[
            pltpu.VMEM((C, D), jnp.float32),
            pltpu.VMEM((C, D), jnp.float32),
            pltpu.VMEM((C,), jnp.int32),
            pltpu.VMEM((C,), jnp.int32),
            pltpu.VMEM((ZROWS, D), jnp.float32),
            pltpu.VMEM_SHARED((S, D), jnp.float32),
            pltpu.SemaphoreType.DMA,
            pltpu.SemaphoreType.DMA,
        ],
    )
    def k(x_hbm, b_hbm, out_hbm, rows_a, rows_b, idx_a, idx_b, zbuf_v,
          acc_sh, sem_a, sem_b):
        cid = lax.axis_index("c")
        sid = lax.axis_index("s")
        wid = sid * NC + cid

        zeros16 = jnp.zeros((16,), jnp.float32)

        def zbody(i, carry):
            zbuf_v[i // 8, pl.ds((i % 8) * 16, 16)] = zeros16
            return carry

        lax.fori_loop(0, ZROWS * 8, zbody, 0)

        seg_base = pl.multiple_of(sid * SLAB, 8)

        def init_slab(nrows):
            full, rem = divmod(nrows, ZROWS)
            for kk in range(full):
                pltpu.sync_copy(
                    zbuf_v, acc_sh.at[pl.ds(seg_base + kk * ZROWS, ZROWS)])
            if rem:
                pltpu.sync_copy(
                    zbuf_v.at[pl.ds(0, rem)],
                    acc_sh.at[pl.ds(seg_base + full * ZROWS, rem)])

        @pl.when(sid < NS - 1)
        def _():
            init_slab(SLAB)

        @pl.when(sid == NS - 1)
        def _():
            init_slab(SLAB_LAST)

        plsc.subcore_barrier()

        rows = (rows_a, rows_b)
        idx = (idx_a, idx_b)
        sem = (sem_a, sem_b)

        def start_fetch(j, b):
            c = wid + j * NW
            base = pl.multiple_of(c * C, 8)

            @pl.when(c < NCHUNK)
            def _():
                pltpu.async_copy(x_hbm.at[pl.ds(base, C)], rows[b], sem[b])
                pltpu.async_copy(b_hbm.at[pl.ds(base, C)], idx[b], sem[b])

        def wait_and_scatter(j, b):
            c = wid + j * NW
            base = pl.multiple_of(c * C, 8)

            @pl.when(c < NCHUNK)
            def _():
                pltpu.make_async_copy(
                    x_hbm.at[pl.ds(base, C)], rows[b], sem[b]).wait()
                pltpu.make_async_copy(
                    b_hbm.at[pl.ds(base, C)], idx[b], sem[b]).wait()
                pltpu.sync_copy(rows[b], acc_sh.at[idx[b]], add=True)

        start_fetch(0, 0)
        start_fetch(1, 1)

        def body(t, carry):
            j0 = t * 2
            for b in range(2):
                wait_and_scatter(j0 + b, b)
                start_fetch(j0 + b + 2, b)
            return carry

        lax.fori_loop(0, (ITERS + 1) // 2, body, 0)
        plsc.subcore_barrier()

        def dump_slab(nrows):
            full, rem = divmod(nrows, ZROWS)
            for kk in range(full):
                off = pl.multiple_of(seg_base + kk * ZROWS, 8)
                pltpu.sync_copy(acc_sh.at[pl.ds(off, ZROWS)],
                                out_hbm.at[cid, pl.ds(off, ZROWS)])
            if rem:
                off = pl.multiple_of(seg_base + full * ZROWS, 8)
                pltpu.sync_copy(acc_sh.at[pl.ds(off, rem)],
                                out_hbm.at[cid, pl.ds(off, rem)])

        @pl.when(sid < NS - 1)
        def _():
            dump_slab(SLAB)

        @pl.when(sid == NS - 1)
        def _():
            dump_slab(SLAB_LAST)

    return k(x, batch)


def _merge(p0, p1):
    def mk(a_ref, b_ref, o_ref):
        o_ref[...] = a_ref[...] + b_ref[...]

    return pl.pallas_call(
        mk,
        out_shape=jax.ShapeDtypeStruct((S, D), jnp.float32),
        grid=(10,),
        in_specs=[
            pl.BlockSpec((1000, D), lambda i: (i, 0)),
            pl.BlockSpec((1000, D), lambda i: (i, 0)),
        ],
        out_specs=pl.BlockSpec((1000, D), lambda i: (i, 0)),
    )(p0, p1)


@jax.jit
def kernel(x, batch):
    partials = _sc_partials(x, batch)
    return _merge(partials[0], partials[1])

# --- scband reference (transcript-rebuilt; emitter-appended) ---
"""Pipeline reference for scband-output-model-11914239279558 (READ-ONLY COPY).

The authoritative reference and input builder live on the scoring server;
editing this copy changes nothing except your own understanding.
"""

import jax, jax.numpy as jnp
import numpy as np

N = 320000
D = 128
NUM_SEG = 10000

def setup_inputs(seed: int = 0) -> dict:
    key = jax.random.key(seed)
    k1, k2 = jax.random.split(key)
    x = jax.random.normal(k1, (N, D), dtype=jnp.float32)
    batch = jnp.sort(jax.random.randint(k2, (N,), 0, NUM_SEG, dtype=jnp.int32))
    return {"x": x, "batch": batch}

def reference(x, batch):
    # OutputModel.reduce: dim_size = int(batch.max()+1); here batch is drawn
    # uniformly over [0, NUM_SEG) so dim_size == NUM_SEG (static for jit).
    # reduce_op == "sum" -> scatter-add / segment_sum along dim 0.
    out = jax.ops.segment_sum(x, batch, num_segments=NUM_SEG)
    # post_reduce is identity
    return out

if __name__ == "__main__":
    import jax
    _d = setup_inputs()
    print(jax.jit(kernel)(*tuple(_d.values())))

</pallas_src>

<mosaic_0001>
#map = affine_map<(d0, d1) -> (0, 0)>
#map1 = affine_map<(d0, d1) -> (0)>
#map2 = affine_map<(d0, d1) -> (0, 0, 0)>
module attributes {stable_mosaic.version = 14 : i64} {
  func.func @k(%arg0: i32, %arg1: i32, %arg2: memref<320000x128xf32, #tpu.memory_space<hbm>>, %arg3: memref<320000xi32, #tpu.memory_space<hbm>>, %arg4: memref<2x10000x128xf32, #tpu.memory_space<hbm>>, %arg5: memref<128x128xf32, #tpu.memory_space<vmem>>, %arg6: memref<128x128xf32, #tpu.memory_space<vmem>>, %arg7: memref<128xi32, #tpu.memory_space<vmem>>, %arg8: memref<128xi32, #tpu.memory_space<vmem>>, %arg9: memref<128x128xf32, #tpu.memory_space<vmem>>, %arg10: memref<10000x128xf32, #tpu.memory_space<vmem_shared>>, %arg11: memref<!tpu.dma_semaphore, #tpu.memory_space<semaphore_mem>>, %arg12: memref<!tpu.dma_semaphore, #tpu.memory_space<semaphore_mem>>) attributes {dimension_semantics = [#tpu.dimension_semantics<core_parallel>, #tpu.dimension_semantics<subcore_parallel>], iteration_bounds = array<i64: 2, 16>, scalar_prefetch = 0 : i64, scratch_operands = 8 : i64, tpu.core_type = #tpu.core_type<sc_vector_subcore>, window_params = [{transform_indices = #map}, {transform_indices = #map1}, {transform_indices = #map2}]} {
    %mul3A = arith.constant 2 : i32
    %mul3A_0 = arith.muli %arg1, %mul3A : i32
    %add3A = arith.addi %mul3A_0, %arg0 : i32
    %broadcast_in_dim3A = arith.constant 0.000000e+00 : f32
    %broadcast_in_dim3A_1 = vector.broadcast %broadcast_in_dim3A : f32 to vector<16xf32>
    %scan3A = arith.constant 0 : i32
    %scan3A_2 = arith.constant 0 : i32
    %scan3A_3 = arith.constant 1024 : i32
    %scan3A_4 = arith.addi %scan3A_2, %scan3A_3 : i32
    %scan3A_5 = arith.constant 1 : i32
    scf.for %scan3A_52 = %scan3A_2 to %scan3A_4 step %scan3A_5  : i32 {
      %jit3A = arith.constant 8 : i32
      %div3A = arith.divsi %scan3A_52, %jit3A : i32
      %sign3A = arith.constant 0 : i32
      %sign3A_53 = arith.cmpi sgt, %scan3A_52, %sign3A : i32
      %sign3A_54 = arith.extui %sign3A_53 : i1 to i32
      %sign3A_55 = arith.constant 0 : i32
      %sign3A_56 = arith.cmpi slt, %scan3A_52, %sign3A_55 : i32
      %sign3A_57 = arith.extui %sign3A_56 : i1 to i32
      %sign3A_58 = arith.subi %sign3A_54, %sign3A_57 : i32
      %sign3A_59 = arith.constant 0 : i32
      %sign3A_60 = arith.cmpi sgt, %jit3A, %sign3A_59 : i32
      %sign3A_61 = arith.extui %sign3A_60 : i1 to i32
      %sign3A_62 = arith.constant 0 : i32
      %sign3A_63 = arith.cmpi slt, %jit3A, %sign3A_62 : i32
      %sign3A_64 = arith.extui %sign3A_63 : i1 to i32
      %sign3A_65 = arith.subi %sign3A_61, %sign3A_64 : i32
      %ne3A = arith.cmpi ne, %sign3A_58, %sign3A_65 : i32
      %rem3A = arith.remsi %scan3A_52, %jit3A : i32
      %ne3A_66 = arith.constant 0 : i32
      %ne3A_67 = arith.cmpi ne, %rem3A, %ne3A_66 : i32
      %and3A = arith.andi %ne3A, %ne3A_67 : i1
      %sub3A = arith.constant 1 : i32
      %sub3A_68 = arith.subi %div3A, %sub3A : i32
      %select_n3A = arith.select %and3A, %sub3A_68, %div3A : i32
      %jit3A_69 = arith.constant 8 : i32
      %eq3A_70 = arith.constant 0 : i32
      %eq3A_71 = arith.cmpi eq, %jit3A_69, %eq3A_70 : i32
      %jit3A_72 = arith.constant 1 : i32
      %select_n3A_73 = arith.select %eq3A_71, %jit3A_72, %jit3A_69 : i32
      %rem3A_74 = arith.remsi %scan3A_52, %select_n3A_73 : i32
      %ne3A_75 = arith.constant 0 : i32
      %ne3A_76 = arith.cmpi ne, %rem3A_74, %ne3A_75 : i32
      %lt3A_77 = arith.constant 0 : i32
      %lt3A_78 = arith.cmpi slt, %rem3A_74, %lt3A_77 : i32
      %lt3A_79 = arith.constant 0 : i32
      %lt3A_80 = arith.cmpi slt, %select_n3A_73, %lt3A_79 : i32
      %ne3A_81 = arith.xori %lt3A_78, %lt3A_80 : i1
      %and3A_82 = arith.andi %ne3A_81, %ne3A_76 : i1
      %add3A_83 = arith.addi %rem3A_74, %select_n3A_73 : i32
      %select_n3A_84 = arith.select %and3A_82, %add3A_83, %rem3A_74 : i32
      %mul3A_85 = arith.constant 16 : i32
      %mul3A_86 = arith.muli %select_n3A_84, %mul3A_85 : i32
      %swap3A = arith.index_cast %select_n3A : i32 to index
      %swap3A_87 = arith.index_cast %mul3A_86 : i32 to index
      %swap3A_88 = tpu.vector_load %arg9[%swap3A, %swap3A_87] {strides = array<i32>} : memref<128x128xf32, #tpu.memory_space<vmem>>, vector<1x16xf32>,
      %swap3A_89 = vector.shape_cast %swap3A_88 : vector<1x16xf32> to vector<16xf32>
      %swap3A_90 = vector.shape_cast %broadcast_in_dim3A_1 : vector<16xf32> to vector<1x16xf32>
      tpu.vector_store %arg9[%swap3A, %swap3A_87], %swap3A_90 {strides = array<i32>} : memref<128x128xf32, #tpu.memory_space<vmem>>, vector<1x16xf32>,
    }
    %scan3A_6 = arith.constant 1024 : i32
    %mul3A_7 = arith.constant 632 : i32
    %mul3A_8 = arith.muli %arg1, %mul3A_7 : i32
    %multiple_of3A = tpu.assume_multiple %mul3A_8, 8 : i32
    %lt3A = arith.constant 15 : i32
    %lt3A_9 = arith.cmpi slt, %arg1, %lt3A : i32
    %convert_element_type3A = arith.extui %lt3A_9 : i1 to i32
    %cond3A = arith.constant 0 : i32
    %cond3A_10 = arith.cmpi ne, %convert_element_type3A, %cond3A : i32
    scf.if %cond3A_10 {
      %add3A_52 = arith.constant 0 : i32
      %add3A_53 = arith.addi %multiple_of3A, %add3A_52 : i32
      "tpu.region"() ({
        %run_scoped3A = tpu.sem_alloc : memref<!tpu.dma_semaphore, #tpu.memory_space<semaphore_mem>>
        %dma_start3A = arith.constant 0 : i32
        %dma_start3A_62 = tpu.memref_slice %arg10[%add3A_53, %dma_start3A] : memref<10000x128xf32, #tpu.memory_space<vmem_shared>> -> memref<128x128xf32, #tpu.memory_space<vmem_shared>>
        %dma_start3A_63 = arith.constant 0 : i32
        %dma_start3A_64 = tpu.memref_slice %arg10[%add3A_53, %dma_start3A_63] : memref<10000x128xf32, #tpu.memory_space<vmem_shared>> -> memref<128x128xf32, #tpu.memory_space<vmem_shared>>
        tpu.enqueue_dma source(%arg9 : memref<128x128xf32, #tpu.memory_space<vmem>>) target(%dma_start3A_64 : memref<128x128xf32, #tpu.memory_space<vmem_shared>>) target_semaphore(%run_scoped3A : memref<!tpu.dma_semaphore, #tpu.memory_space<semaphore_mem>>)
        %dma_wait3A = arith.constant 0 : i32
        %dma_wait3A_65 = tpu.memref_slice %arg10[%add3A_53, %dma_wait3A] : memref<10000x128xf32, #tpu.memory_space<vmem_shared>> -> memref<128x128xf32, #tpu.memory_space<vmem_shared>>
        %dma_wait3A_66 = arith.constant 0 : i32
        %dma_wait3A_67 = tpu.memref_slice %arg10[%add3A_53, %dma_wait3A_66] : memref<10000x128xf32, #tpu.memory_space<vmem_shared>> -> memref<128x128xf32, #tpu.memory_space<vmem_shared>>
        tpu.wait_dma2 semaphore(%run_scoped3A : memref<!tpu.dma_semaphore, #tpu.memory_space<semaphore_mem>>) src(%arg9 : memref<128x128xf32, #tpu.memory_space<vmem>>) dst(%dma_wait3A_67 : memref<128x128xf32, #tpu.memory_space<vmem_shared>>)
        tpu.yield
      }) : () -> ()
      %add3A_54 = arith.constant 128 : i32
      %add3A_55 = arith.addi %multiple_of3A, %add3A_54 : i32
      "tpu.region"() ({
        %run_scoped3A = tpu.sem_alloc : memref<!tpu.dma_semaphore, #tpu.memory_space<semaphore_mem>>
        %dma_start3A = arith.constant 0 : i32
        %dma_start3A_62 = tpu.memref_slice %arg10[%add3A_55, %dma_start3A] : memref<10000x128xf32, #tpu.memory_space<vmem_shared>> -> memref<128x128xf32, #tpu.memory_space<vmem_shared>>
        %dma_start3A_63 = arith.constant 0 : i32
        %dma_start3A_64 = tpu.memref_slice %arg10[%add3A_55, %dma_start3A_63] : memref<10000x128xf32, #tpu.memory_space<vmem_shared>> -> memref<128x128xf32, #tpu.memory_space<vmem_shared>>
        tpu.enqueue_dma source(%arg9 : memref<128x128xf32, #tpu.memory_space<vmem>>) target(%dma_start3A_64 : memref<128x128xf32, #tpu.memory_space<vmem_shared>>) target_semaphore(%run_scoped3A : memref<!tpu.dma_semaphore, #tpu.memory_space<semaphore_mem>>)
        %dma_wait3A = arith.constant 0 : i32
        %dma_wait3A_65 = tpu.memref_slice %arg10[%add3A_55, %dma_wait3A] : memref<10000x128xf32, #tpu.memory_space<vmem_shared>> -> memref<128x128xf32, #tpu.memory_space<vmem_shared>>
        %dma_wait3A_66 = arith.constant 0 : i32
        %dma_wait3A_67 = tpu.memref_slice %arg10[%add3A_55, %dma_wait3A_66] : memref<10000x128xf32, #tpu.memory_space<vmem_shared>> -> memref<128x128xf32, #tpu.memory_space<vmem_shared>>
        tpu.wait_dma2 semaphore(%run_scoped3A : memref<!tpu.dma_semaphore, #tpu.memory_space<semaphore_mem>>) src(%arg9 : memref<128x128xf32, #tpu.memory_space<vmem>>) dst(%dma_wait3A_67 : memref<128x128xf32, #tpu.memory_space<vmem_shared>>)
        tpu.yield
      }) : () -> ()
      %add3A_56 = arith.constant 256 : i32
      %add3A_57 = arith.addi %multiple_of3A, %add3A_56 : i32
      "tpu.region"() ({
        %run_scoped3A = tpu.sem_alloc : memref<!tpu.dma_semaphore, #tpu.memory_space<semaphore_mem>>
        %dma_start3A = arith.constant 0 : i32
        %dma_start3A_62 = tpu.memref_slice %arg10[%add3A_57, %dma_start3A] : memref<10000x128xf32, #tpu.memory_space<vmem_shared>> -> memref<128x128xf32, #tpu.memory_space<vmem_shared>>
        %dma_start3A_63 = arith.constant 0 : i32
        %dma_start3A_64 = tpu.memref_slice %arg10[%add3A_57, %dma_start3A_63] : memref<10000x128xf32, #tpu.memory_space<vmem_shared>> -> memref<128x128xf32, #tpu.memory_space<vmem_shared>>
        tpu.enqueue_dma source(%arg9 : memref<128x128xf32, #tpu.memory_space<vmem>>) target(%dma_start3A_64 : memref<128x128xf32, #tpu.memory_space<vmem_shared>>) target_semaphore(%run_scoped3A : memref<!tpu.dma_semaphore, #tpu.memory_space<semaphore_mem>>)
        %dma_wait3A = arith.constant 0 : i32
        %dma_wait3A_65 = tpu.memref_slice %arg10[%add3A_57, %dma_wait3A] : memref<10000x128xf32, #tpu.memory_space<vmem_shared>> -> memref<128x128xf32, #tpu.memory_space<vmem_shared>>
        %dma_wait3A_66 = arith.constant 0 : i32
        %dma_wait3A_67 = tpu.memref_slice %arg10[%add3A_57, %dma_wait3A_66] : memref<10000x128xf32, #tpu.memory_space<vmem_shared>> -> memref<128x128xf32, #tpu.memory_space<vmem_shared>>
        tpu.wait_dma2 semaphore(%run_scoped3A : memref<!tpu.dma_semaphore, #tpu.memory_space<semaphore_mem>>) src(%arg9 : memref<128x128xf32, #tpu.memory_space<vmem>>) dst(%dma_wait3A_67 : memref<128x128xf32, #tpu.memory_space<vmem_shared>>)
        tpu.yield
      }) : () -> ()
      %add3A_58 = arith.constant 384 : i32
      %add3A_59 = arith.addi %multiple_of3A, %add3A_58 : i32
      "tpu.region"() ({
        %run_scoped3A = tpu.sem_alloc : memref<!tpu.dma_semaphore, #tpu.memory_space<semaphore_mem>>
        %dma_start3A = arith.constant 0 : i32
        %dma_start3A_62 = tpu.memref_slice %arg10[%add3A_59, %dma_start3A] : memref<10000x128xf32, #tpu.memory_space<vmem_shared>> -> memref<128x128xf32, #tpu.memory_space<vmem_shared>>
        %dma_start3A_63 = arith.constant 0 : i32
        %dma_start3A_64 = tpu.memref_slice %arg10[%add3A_59, %dma_start3A_63] : memref<10000x128xf32, #tpu.memory_space<vmem_shared>> -> memref<128x128xf32, #tpu.memory_space<vmem_shared>>
        tpu.enqueue_dma source(%arg9 : memref<128x128xf32, #tpu.memory_space<vmem>>) target(%dma_start3A_64 : memref<128x128xf32, #tpu.memory_space<vmem_shared>>) target_semaphore(%run_scoped3A : memref<!tpu.dma_semaphore, #tpu.memory_space<semaphore_mem>>)
        %dma_wait3A = arith.constant 0 : i32
        %dma_wait3A_65 = tpu.memref_slice %arg10[%add3A_59, %dma_wait3A] : memref<10000x128xf32, #tpu.memory_space<vmem_shared>> -> memref<128x128xf32, #tpu.memory_space<vmem_shared>>
        %dma_wait3A_66 = arith.constant 0 : i32
        %dma_wait3A_67 = tpu.memref_slice %arg10[%add3A_59, %dma_wait3A_66] : memref<10000x128xf32, #tpu.memory_space<vmem_shared>> -> memref<128x128xf32, #tpu.memory_space<vmem_shared>>
        tpu.wait_dma2 semaphore(%run_scoped3A : memref<!tpu.dma_semaphore, #tpu.memory_space<semaphore_mem>>) src(%arg9 : memref<128x128xf32, #tpu.memory_space<vmem>>) dst(%dma_wait3A_67 : memref<128x128xf32, #tpu.memory_space<vmem_shared>>)
        tpu.yield
      }) : () -> ()
      %add3A_60 = arith.constant 512 : i32
      %add3A_61 = arith.addi %multiple_of3A, %add3A_60 : i32
      "tpu.region"() ({
        %run_scoped3A = tpu.sem_alloc : memref<!tpu.dma_semaphore, #tpu.memory_space<semaphore_mem>>
        %dma_start3A = arith.constant 0 : i32
        %dma_start3A_62 = arith.constant 0 : i32
        %dma_start3A_63 = tpu.memref_slice %arg9[%dma_start3A, %dma_start3A_62] : memref<128x128xf32, #tpu.memory_space<vmem>> -> memref<120x128xf32, #tpu.memory_space<vmem>>
        %dma_start3A_64 = arith.constant 0 : i32
        %dma_start3A_65 = tpu.memref_slice %arg10[%add3A_61, %dma_start3A_64] : memref<10000x128xf32, #tpu.memory_space<vmem_shared>> -> memref<120x128xf32, #tpu.memory_space<vmem_shared>>
        %dma_start3A_66 = arith.constant 0 : i32
        %dma_start3A_67 = tpu.memref_slice %arg10[%add3A_61, %dma_start3A_66] : memref<10000x128xf32, #tpu.memory_space<vmem_shared>> -> memref<120x128xf32, #tpu.memory_space<vmem_shared>>
        %dma_start3A_68 = arith.constant 0 : i32
        %dma_start3A_69 = arith.constant 0 : i32
        %dma_start3A_70 = tpu.memref_slice %arg9[%dma_start3A_68, %dma_start3A_69] : memref<128x128xf32, #tpu.memory_space<vmem>> -> memref<120x128xf32, #tpu.memory_space<vmem>>
        tpu.enqueue_dma source(%dma_start3A_70 : memref<120x128xf32, #tpu.memory_space<vmem>>) target(%dma_start3A_67 : memref<120x128xf32, #tpu.memory_space<vmem_shared>>) target_semaphore(%run_scoped3A : memref<!tpu.dma_semaphore, #tpu.memory_space<semaphore_mem>>)
        %dma_wait3A = arith.constant 0 : i32
        %dma_wait3A_71 = arith.constant 0 : i32
        %dma_wait3A_72 = tpu.memref_slice %arg9[%dma_wait3A, %dma_wait3A_71] : memref<128x128xf32, #tpu.memory_space<vmem>> -> memref<120x128xf32, #tpu.memory_space<vmem>>
        %dma_wait3A_73 = arith.constant 0 : i32
        %dma_wait3A_74 = tpu.memref_slice %arg10[%add3A_61, %dma_wait3A_73] : memref<10000x128xf32, #tpu.memory_space<vmem_shared>> -> memref<120x128xf32, #tpu.memory_space<vmem_shared>>
        %dma_wait3A_75 = arith.constant 0 : i32
        %dma_wait3A_76 = tpu.memref_slice %arg10[%add3A_61, %dma_wait3A_75] : memref<10000x128xf32, #tpu.memory_space<vmem_shared>> -> memref<120x128xf32, #tpu.memory_space<vmem_shared>>
        %dma_wait3A_77 = arith.constant 0 : i32
        %dma_wait3A_78 = arith.constant 0 : i32
        %dma_wait3A_79 = tpu.memref_slice %arg9[%dma_wait3A_77, %dma_wait3A_78] : memref<128x128xf32, #tpu.memory_space<vmem>> -> memref<120x128xf32, #tpu.memory_space<vmem>>
        tpu.wait_dma2 semaphore(%run_scoped3A : memref<!tpu.dma_semaphore, #tpu.memory_space<semaphore_mem>>) src(%dma_wait3A_79 : memref<120x128xf32, #tpu.memory_space<vmem>>) dst(%dma_wait3A_76 : memref<120x128xf32, #tpu.memory_space<vmem_shared>>)
        tpu.yield
      }) : () -> ()
    } else {
    }
    %eq3A = arith.constant 15 : i32
    %eq3A_11 = arith.cmpi eq, %arg1, %eq3A : i32
    %convert_element_type3A_12 = arith.extui %eq3A_11 : i1 to i32
    %cond3A_13 = arith.constant 0 : i32
    %cond3A_14 = arith.cmpi ne, %convert_element_type3A_12, %cond3A_13 : i32
    scf.if %cond3A_14 {
      %add3A_52 = arith.constant 0 : i32
      %add3A_53 = arith.addi %multiple_of3A, %add3A_52 : i32
      "tpu.region"() ({
        %run_scoped3A = tpu.sem_alloc : memref<!tpu.dma_semaphore, #tpu.memory_space<semaphore_mem>>
        %dma_start3A = arith.constant 0 : i32
        %dma_start3A_62 = tpu.memref_slice %arg10[%add3A_53, %dma_start3A] : memref<10000x128xf32, #tpu.memory_space<vmem_shared>> -> memref<128x128xf32, #tpu.memory_space<vmem_shared>>
        %dma_start3A_63 = arith.constant 0 : i32
        %dma_start3A_64 = tpu.memref_slice %arg10[%add3A_53, %dma_start3A_63] : memref<10000x128xf32, #tpu.memory_space<vmem_shared>> -> memref<128x128xf32, #tpu.memory_space<vmem_shared>>
        tpu.enqueue_dma source(%arg9 : memref<128x128xf32, #tpu.memory_space<vmem>>) target(%dma_start3A_64 : memref<128x128xf32, #tpu.memory_space<vmem_shared>>) target_semaphore(%run_scoped3A : memref<!tpu.dma_semaphore, #tpu.memory_space<semaphore_mem>>)
        %dma_wait3A = arith.constant 0 : i32
        %dma_wait3A_65 = tpu.memref_slice %arg10[%add3A_53, %dma_wait3A] : memref<10000x128xf32, #tpu.memory_space<vmem_shared>> -> memref<128x128xf32, #tpu.memory_space<vmem_shared>>
        %dma_wait3A_66 = arith.constant 0 : i32
        %dma_wait3A_67 = tpu.memref_slice %arg10[%add3A_53, %dma_wait3A_66] : memref<10000x128xf32, #tpu.memory_space<vmem_shared>> -> memref<128x128xf32, #tpu.memory_space<vmem_shared>>
        tpu.wait_dma2 semaphore(%run_scoped3A : memref<!tpu.dma_semaphore, #tpu.memory_space<semaphore_mem>>) src(%arg9 : memref<128x128xf32, #tpu.memory_space<vmem>>) dst(%dma_wait3A_67 : memref<128x128xf32, #tpu.memory_space<vmem_shared>>)
        tpu.yield
      }) : () -> ()
      %add3A_54 = arith.constant 128 : i32
      %add3A_55 = arith.addi %multiple_of3A, %add3A_54 : i32
      "tpu.region"() ({
        %run_scoped3A = tpu.sem_alloc : memref<!tpu.dma_semaphore, #tpu.memory_space<semaphore_mem>>
        %dma_start3A = arith.constant 0 : i32
        %dma_start3A_62 = tpu.memref_slice %arg10[%add3A_55, %dma_start3A] : memref<10000x128xf32, #tpu.memory_space<vmem_shared>> -> memref<128x128xf32, #tpu.memory_space<vmem_shared>>
        %dma_start3A_63 = arith.constant 0 : i32
        %dma_start3A_64 = tpu.memref_slice %arg10[%add3A_55, %dma_start3A_63] : memref<10000x128xf32, #tpu.memory_space<vmem_shared>> -> memref<128x128xf32, #tpu.memory_space<vmem_shared>>
        tpu.enqueue_dma source(%arg9 : memref<128x128xf32, #tpu.memory_space<vmem>>) target(%dma_start3A_64 : memref<128x128xf32, #tpu.memory_space<vmem_shared>>) target_semaphore(%run_scoped3A : memref<!tpu.dma_semaphore, #tpu.memory_space<semaphore_mem>>)
        %dma_wait3A = arith.constant 0 : i32
        %dma_wait3A_65 = tpu.memref_slice %arg10[%add3A_55, %dma_wait3A] : memref<10000x128xf32, #tpu.memory_space<vmem_shared>> -> memref<128x128xf32, #tpu.memory_space<vmem_shared>>
        %dma_wait3A_66 = arith.constant 0 : i32
        %dma_wait3A_67 = tpu.memref_slice %arg10[%add3A_55, %dma_wait3A_66] : memref<10000x128xf32, #tpu.memory_space<vmem_shared>> -> memref<128x128xf32, #tpu.memory_space<vmem_shared>>
        tpu.wait_dma2 semaphore(%run_scoped3A : memref<!tpu.dma_semaphore, #tpu.memory_space<semaphore_mem>>) src(%arg9 : memref<128x128xf32, #tpu.memory_space<vmem>>) dst(%dma_wait3A_67 : memref<128x128xf32, #tpu.memory_space<vmem_shared>>)
        tpu.yield
      }) : () -> ()
      %add3A_56 = arith.constant 256 : i32
      %add3A_57 = arith.addi %multiple_of3A, %add3A_56 : i32
      "tpu.region"() ({
        %run_scoped3A = tpu.sem_alloc : memref<!tpu.dma_semaphore, #tpu.memory_space<semaphore_mem>>
        %dma_start3A = arith.constant 0 : i32
        %dma_start3A_62 = tpu.memref_slice %arg10[%add3A_57, %dma_start3A] : memref<10000x128xf32, #tpu.memory_space<vmem_shared>> -> memref<128x128xf32, #tpu.memory_space<vmem_shared>>
        %dma_start3A_63 = arith.constant 0 : i32
        %dma_start3A_64 = tpu.memref_slice %arg10[%add3A_57, %dma_start3A_63] : memref<10000x128xf32, #tpu.memory_space<vmem_shared>> -> memref<128x128xf32, #tpu.memory_space<vmem_shared>>
        tpu.enqueue_dma source(%arg9 : memref<128x128xf32, #tpu.memory_space<vmem>>) target(%dma_start3A_64 : memref<128x128xf32, #tpu.memory_space<vmem_shared>>) target_semaphore(%run_scoped3A : memref<!tpu.dma_semaphore, #tpu.memory_space<semaphore_mem>>)
        %dma_wait3A = arith.constant 0 : i32
        %dma_wait3A_65 = tpu.memref_slice %arg10[%add3A_57, %dma_wait3A] : memref<10000x128xf32, #tpu.memory_space<vmem_shared>> -> memref<128x128xf32, #tpu.memory_space<vmem_shared>>
        %dma_wait3A_66 = arith.constant 0 : i32
        %dma_wait3A_67 = tpu.memref_slice %arg10[%add3A_57, %dma_wait3A_66] : memref<10000x128xf32, #tpu.memory_space<vmem_shared>> -> memref<128x128xf32, #tpu.memory_space<vmem_shared>>
        tpu.wait_dma2 semaphore(%run_scoped3A : memref<!tpu.dma_semaphore, #tpu.memory_space<semaphore_mem>>) src(%arg9 : memref<128x128xf32, #tpu.memory_space<vmem>>) dst(%dma_wait3A_67 : memref<128x128xf32, #tpu.memory_space<vmem_shared>>)
        tpu.yield
      }) : () -> ()
      %add3A_58 = arith.constant 384 : i32
      %add3A_59 = arith.addi %multiple_of3A, %add3A_58 : i32
      "tpu.region"() ({
        %run_scoped3A = tpu.sem_alloc : memref<!tpu.dma_semaphore, #tpu.memory_space<semaphore_mem>>
        %dma_start3A = arith.constant 0 : i32
        %dma_start3A_62 = tpu.memref_slice %arg10[%add3A_59, %dma_start3A] : memref<10000x128xf32, #tpu.memory_space<vmem_shared>> -> memref<128x128xf32, #tpu.memory_space<vmem_shared>>
        %dma_start3A_63 = arith.constant 0 : i32
        %dma_start3A_64 = tpu.memref_slice %arg10[%add3A_59, %dma_start3A_63] : memref<10000x128xf32, #tpu.memory_space<vmem_shared>> -> memref<128x128xf32, #tpu.memory_space<vmem_shared>>
        tpu.enqueue_dma source(%arg9 : memref<128x128xf32, #tpu.memory_space<vmem>>) target(%dma_start3A_64 : memref<128x128xf32, #tpu.memory_space<vmem_shared>>) target_semaphore(%run_scoped3A : memref<!tpu.dma_semaphore, #tpu.memory_space<semaphore_mem>>)
        %dma_wait3A = arith.constant 0 : i32
        %dma_wait3A_65 = tpu.memref_slice %arg10[%add3A_59, %dma_wait3A] : memref<10000x128xf32, #tpu.memory_space<vmem_shared>> -> memref<128x128xf32, #tpu.memory_space<vmem_shared>>
        %dma_wait3A_66 = arith.constant 0 : i32
        %dma_wait3A_67 = tpu.memref_slice %arg10[%add3A_59, %dma_wait3A_66] : memref<10000x128xf32, #tpu.memory_space<vmem_shared>> -> memref<128x128xf32, #tpu.memory_space<vmem_shared>>
        tpu.wait_dma2 semaphore(%run_scoped3A : memref<!tpu.dma_semaphore, #tpu.memory_space<semaphore_mem>>) src(%arg9 : memref<128x128xf32, #tpu.memory_space<vmem>>) dst(%dma_wait3A_67 : memref<128x128xf32, #tpu.memory_space<vmem_shared>>)
        tpu.yield
      }) : () -> ()
      %add3A_60 = arith.constant 512 : i32
      %add3A_61 = arith.addi %multiple_of3A, %add3A_60 : i32
      "tpu.region"() ({
        %run_scoped3A = tpu.sem_alloc : memref<!tpu.dma_semaphore, #tpu.memory_space<semaphore_mem>>
        %dma_start3A = arith.constant 0 : i32
        %dma_start3A_62 = arith.constant 0 : i32
        %dma_start3A_63 = tpu.memref_slice %arg9[%dma_start3A, %dma_start3A_62] : memref<128x128xf32, #tpu.memory_space<vmem>> -> memref<8x128xf32, #tpu.memory_space<vmem>>
        %dma_start3A_64 = arith.constant 0 : i32
        %dma_start3A_65 = tpu.memref_slice %arg10[%add3A_61, %dma_start3A_64] : memref<10000x128xf32, #tpu.memory_space<vmem_shared>> -> memref<8x128xf32, #tpu.memory_space<vmem_shared>>
        %dma_start3A_66 = arith.constant 0 : i32
        %dma_start3A_67 = tpu.memref_slice %arg10[%add3A_61, %dma_start3A_66] : memref<10000x128xf32, #tpu.memory_space<vmem_shared>> -> memref<8x128xf32, #tpu.memory_space<vmem_shared>>
        %dma_start3A_68 = arith.constant 0 : i32
        %dma_start3A_69 = arith.constant 0 : i32
        %dma_start3A_70 = tpu.memref_slice %arg9[%dma_start3A_68, %dma_start3A_69] : memref<128x128xf32, #tpu.memory_space<vmem>> -> memref<8x128xf32, #tpu.memory_space<vmem>>
        tpu.enqueue_dma source(%dma_start3A_70 : memref<8x128xf32, #tpu.memory_space<vmem>>) target(%dma_start3A_67 : memref<8x128xf32, #tpu.memory_space<vmem_shared>>) target_semaphore(%run_scoped3A : memref<!tpu.dma_semaphore, #tpu.memory_space<semaphore_mem>>)
        %dma_wait3A = arith.constant 0 : i32
        %dma_wait3A_71 = arith.constant 0 : i32
        %dma_wait3A_72 = tpu.memref_slice %arg9[%dma_wait3A, %dma_wait3A_71] : memref<128x128xf32, #tpu.memory_space<vmem>> -> memref<8x128xf32, #tpu.memory_space<vmem>>
        %dma_wait3A_73 = arith.constant 0 : i32
        %dma_wait3A_74 = tpu.memref_slice %arg10[%add3A_61, %dma_wait3A_73] : memref<10000x128xf32, #tpu.memory_space<vmem_shared>> -> memref<8x128xf32, #tpu.memory_space<vmem_shared>>
        %dma_wait3A_75 = arith.constant 0 : i32
        %dma_wait3A_76 = tpu.memref_slice %arg10[%add3A_61, %dma_wait3A_75] : memref<10000x128xf32, #tpu.memory_space<vmem_shared>> -> memref<8x128xf32, #tpu.memory_space<vmem_shared>>
        %dma_wait3A_77 = arith.constant 0 : i32
        %dma_wait3A_78 = arith.constant 0 : i32
        %dma_wait3A_79 = tpu.memref_slice %arg9[%dma_wait3A_77, %dma_wait3A_78] : memref<128x128xf32, #tpu.memory_space<vmem>> -> memref<8x128xf32, #tpu.memory_space<vmem>>
        tpu.wait_dma2 semaphore(%run_scoped3A : memref<!tpu.dma_semaphore, #tpu.memory_space<semaphore_mem>>) src(%dma_wait3A_79 : memref<8x128xf32, #tpu.memory_space<vmem>>) dst(%dma_wait3A_76 : memref<8x128xf32, #tpu.memory_space<vmem_shared>>)
        tpu.yield
      }) : () -> ()
    } else {
    }
    %barrier3A = arith.constant 0 : index
    tpu.barrier barrier_id(%barrier3A)
    %add3A_15 = arith.constant 0 : i32
    %add3A_16 = arith.addi %add3A, %add3A_15 : i32
    %mul3A_17 = arith.constant 128 : i32
    %mul3A_18 = arith.muli %add3A_16, %mul3A_17 : i32
    %multiple_of3A_19 = tpu.assume_multiple %mul3A_18, 8 : i32
    %lt3A_20 = arith.constant 2500 : i32
    %lt3A_21 = arith.cmpi slt, %add3A_16, %lt3A_20 : i32
    %convert_element_type3A_22 = arith.extui %lt3A_21 : i1 to i32
    %cond3A_23 = arith.constant 0 : i32
    %cond3A_24 = arith.cmpi ne, %convert_element_type3A_22, %cond3A_23 : i32
    scf.if %cond3A_24 {
      %dma_start3A = arith.constant 0 : i32
      %dma_start3A_52 = tpu.memref_slice %arg2[%multiple_of3A_19, %dma_start3A] : memref<320000x128xf32, #tpu.memory_space<hbm>> -> memref<128x128xf32, #tpu.memory_space<hbm>>
      %dma_start3A_53 = arith.constant 0 : i32
      %dma_start3A_54 = tpu.memref_slice %arg2[%multiple_of3A_19, %dma_start3A_53] : memref<320000x128xf32, #tpu.memory_space<hbm>> -> memref<128x128xf32, #tpu.memory_space<hbm>>
      tpu.enqueue_dma source(%dma_start3A_54 : memref<128x128xf32, #tpu.memory_space<hbm>>) target(%arg5 : memref<128x128xf32, #tpu.memory_space<vmem>>) target_semaphore(%arg11 : memref<!tpu.dma_semaphore, #tpu.memory_space<semaphore_mem>>)
      %dma_start3A_55 = tpu.memref_slice %arg3[%multiple_of3A_19] : memref<320000xi32, #tpu.memory_space<hbm>> -> memref<128xi32, #tpu.memory_space<hbm>>
      %dma_start3A_56 = tpu.memref_slice %arg3[%multiple_of3A_19] : memref<320000xi32, #tpu.memory_space<hbm>> -> memref<128xi32, #tpu.memory_space<hbm>>
      tpu.enqueue_dma source(%dma_start3A_56 : memref<128xi32, #tpu.memory_space<hbm>>) target(%arg7 : memref<128xi32, #tpu.memory_space<vmem>>) target_semaphore(%arg11 : memref<!tpu.dma_semaphore, #tpu.memory_space<semaphore_mem>>)
    } else {
    }
    %add3A_25 = arith.constant 32 : i32
    %add3A_26 = arith.addi %add3A, %add3A_25 : i32
    %mul3A_27 = arith.constant 128 : i32
    %mul3A_28 = arith.muli %add3A_26, %mul3A_27 : i32
    %multiple_of3A_29 = tpu.assume_multiple %mul3A_28, 8 : i32
    %lt3A_30 = arith.constant 2500 : i32
    %lt3A_31 = arith.cmpi slt, %add3A_26, %lt3A_30 : i32
    %convert_element_type3A_32 = arith.extui %lt3A_31 : i1 to i32
    %cond3A_33 = arith.constant 0 : i32
    %cond3A_34 = arith.cmpi ne, %convert_element_type3A_32, %cond3A_33 : i32
    scf.if %cond3A_34 {
      %dma_start3A = arith.constant 0 : i32
      %dma_start3A_52 = tpu.memref_slice %arg2[%multiple_of3A_29, %dma_start3A] : memref<320000x128xf32, #tpu.memory_space<hbm>> -> memref<128x128xf32, #tpu.memory_space<hbm>>
      %dma_start3A_53 = arith.constant 0 : i32
      %dma_start3A_54 = tpu.memref_slice %arg2[%multiple_of3A_29, %dma_start3A_53] : memref<320000x128xf32, #tpu.memory_space<hbm>> -> memref<128x128xf32, #tpu.memory_space<hbm>>
      tpu.enqueue_dma source(%dma_start3A_54 : memref<128x128xf32, #tpu.memory_space<hbm>>) target(%arg6 : memref<128x128xf32, #tpu.memory_space<vmem>>) target_semaphore(%arg12 : memref<!tpu.dma_semaphore, #tpu.memory_space<semaphore_mem>>)
      %dma_start3A_55 = tpu.memref_slice %arg3[%multiple_of3A_29] : memref<320000xi32, #tpu.memory_space<hbm>> -> memref<128xi32, #tpu.memory_space<hbm>>
      %dma_start3A_56 = tpu.memref_slice %arg3[%multiple_of3A_29] : memref<320000xi32, #tpu.memory_space<hbm>> -> memref<128xi32, #tpu.memory_space<hbm>>
      tpu.enqueue_dma source(%dma_start3A_56 : memref<128xi32, #tpu.memory_space<hbm>>) target(%arg8 : memref<128xi32, #tpu.memory_space<vmem>>) target_semaphore(%arg12 : memref<!tpu.dma_semaphore, #tpu.memory_space<semaphore_mem>>)
    } else {
    }
    %scan3A_35 = arith.constant 0 : i32
    %scan3A_36 = arith.constant 0 : i32
    %scan3A_37 = arith.constant 40 : i32
    %scan3A_38 = arith.addi %scan3A_36, %scan3A_37 : i32
    %scan3A_39 = arith.constant 1 : i32
    scf.for %scan3A_52 = %scan3A_36 to %scan3A_38 step %scan3A_39  : i32 {
      %mul3A_53 = arith.constant 2 : i32
      %mul3A_54 = arith.muli %scan3A_52, %mul3A_53 : i32
      %add3A_55 = arith.constant 0 : i32
      %add3A_56 = arith.addi %mul3A_54, %add3A_55 : i32
      %mul3A_57 = arith.constant 32 : i32
      %mul3A_58 = arith.muli %add3A_56, %mul3A_57 : i32
      %add3A_59 = arith.addi %add3A, %mul3A_58 : i32
      %mul3A_60 = arith.constant 128 : i32
      %mul3A_61 = arith.muli %add3A_59, %mul3A_60 : i32
      %multiple_of3A_62 = tpu.assume_multiple %mul3A_61, 8 : i32
      %lt3A_63 = arith.constant 2500 : i32
      %lt3A_64 = arith.cmpi slt, %add3A_59, %lt3A_63 : i32
      %convert_element_type3A_65 = arith.extui %lt3A_64 : i1 to i32
      %cond3A_66 = arith.constant 0 : i32
      %cond3A_67 = arith.cmpi ne, %convert_element_type3A_65, %cond3A_66 : i32
      scf.if %cond3A_67 {
        %dma_wait3A = arith.constant 0 : i32
        %dma_wait3A_111 = tpu.memref_slice %arg2[%multiple_of3A_62, %dma_wait3A] : memref<320000x128xf32, #tpu.memory_space<hbm>> -> memref<128x128xf32, #tpu.memory_space<hbm>>
        %dma_wait3A_112 = arith.constant 0 : i32
        %dma_wait3A_113 = tpu.memref_slice %arg2[%multiple_of3A_62, %dma_wait3A_112] : memref<320000x128xf32, #tpu.memory_space<hbm>> -> memref<128x128xf32, #tpu.memory_space<hbm>>
        tpu.wait_dma2 semaphore(%arg11 : memref<!tpu.dma_semaphore, #tpu.memory_space<semaphore_mem>>) src(%dma_wait3A_113 : memref<128x128xf32, #tpu.memory_space<hbm>>) dst(%arg5 : memref<128x128xf32, #tpu.memory_space<vmem>>)
        %dma_wait3A_114 = tpu.memref_slice %arg3[%multiple_of3A_62] : memref<320000xi32, #tpu.memory_space<hbm>> -> memref<128xi32, #tpu.memory_space<hbm>>
        %dma_wait3A_115 = tpu.memref_slice %arg3[%multiple_of3A_62] : memref<320000xi32, #tpu.memory_space<hbm>> -> memref<128xi32, #tpu.memory_space<hbm>>
        tpu.wait_dma2 semaphore(%arg11 : memref<!tpu.dma_semaphore, #tpu.memory_space<semaphore_mem>>) src(%dma_wait3A_115 : memref<128xi32, #tpu.memory_space<hbm>>) dst(%arg7 : memref<128xi32, #tpu.memory_space<vmem>>)
        "tpu.region"() ({
          %run_scoped3A = tpu.sem_alloc : memref<!tpu.dma_semaphore, #tpu.memory_space<semaphore_mem>>
          %dma_start3A = arith.constant 0 : i32
          %dma_start3A_116 = arith.constant 0 : i32
          %dma_start3A_117 = tpu.memref_slice %arg10[%dma_start3A, %dma_start3A_116] : memref<10000x128xf32, #tpu.memory_space<vmem_shared>> -> memref<10000x128xf32, #tpu.memory_space<vmem_shared>>
          tpu.enqueue_indirect_dma source(%arg5 : memref<128x128xf32, #tpu.memory_space<vmem>>) target(%dma_start3A_117 : memref<10000x128xf32, #tpu.memory_space<vmem_shared>>) offsets(%arg7 : memref<128xi32, #tpu.memory_space<vmem>>) semaphore(%run_scoped3A : memref<!tpu.dma_semaphore, #tpu.memory_space<semaphore_mem>>) {add = true}
          %dma_wait3A_118 = arith.constant 0 : i32
          %dma_wait3A_119 = arith.constant 0 : i32
          %dma_wait3A_120 = tpu.memref_slice %arg10[%dma_wait3A_118, %dma_wait3A_119] : memref<10000x128xf32, #tpu.memory_space<vmem_shared>> -> memref<10000x128xf32, #tpu.memory_space<vmem_shared>>
          tpu.wait_indirect_dma semaphore(%run_scoped3A : memref<!tpu.dma_semaphore, #tpu.memory_space<semaphore_mem>>) src(%arg5 : memref<128x128xf32, #tpu.memory_space<vmem>>) dst(%dma_wait3A_120 : memref<10000x128xf32, #tpu.memory_space<vmem_shared>>)
          tpu.yield
        }) : () -> ()
      } else {
      }
      %add3A_68 = arith.constant 0 : i32
      %add3A_69 = arith.addi %mul3A_54, %add3A_68 : i32
      %add3A_70 = arith.constant 2 : i32
      %add3A_71 = arith.addi %add3A_69, %add3A_70 : i32
      %mul3A_72 = arith.constant 32 : i32
      %mul3A_73 = arith.muli %add3A_71, %mul3A_72 : i32
      %add3A_74 = arith.addi %add3A, %mul3A_73 : i32
      %mul3A_75 = arith.constant 128 : i32
      %mul3A_76 = arith.muli %add3A_74, %mul3A_75 : i32
      %multiple_of3A_77 = tpu.assume_multiple %mul3A_76, 8 : i32
      %lt3A_78 = arith.constant 2500 : i32
      %lt3A_79 = arith.cmpi slt, %add3A_74, %lt3A_78 : i32
      %convert_element_type3A_80 = arith.extui %lt3A_79 : i1 to i32
      %cond3A_81 = arith.constant 0 : i32
      %cond3A_82 = arith.cmpi ne, %convert_element_type3A_80, %cond3A_81 : i32
      scf.if %cond3A_82 {
        %dma_start3A = arith.constant 0 : i32
        %dma_start3A_111 = tpu.memref_slice %arg2[%multiple_of3A_77, %dma_start3A] : memref<320000x128xf32, #tpu.memory_space<hbm>> -> memref<128x128xf32, #tpu.memory_space<hbm>>
        %dma_start3A_112 = arith.constant 0 : i32
        %dma_start3A_113 = tpu.memref_slice %arg2[%multiple_of3A_77, %dma_start3A_112] : memref<320000x128xf32, #tpu.memory_space<hbm>> -> memref<128x128xf32, #tpu.memory_space<hbm>>
        tpu.enqueue_dma source(%dma_start3A_113 : memref<128x128xf32, #tpu.memory_space<hbm>>) target(%arg5 : memref<128x128xf32, #tpu.memory_space<vmem>>) target_semaphore(%arg11 : memref<!tpu.dma_semaphore, #tpu.memory_space<semaphore_mem>>)
        %dma_start3A_114 = tpu.memref_slice %arg3[%multiple_of3A_77] : memref<320000xi32, #tpu.memory_space<hbm>> -> memref<128xi32, #tpu.memory_space<hbm>>
        %dma_start3A_115 = tpu.memref_slice %arg3[%multiple_of3A_77] : memref<320000xi32, #tpu.memory_space<hbm>> -> memref<128xi32, #tpu.memory_space<hbm>>
        tpu.enqueue_dma source(%dma_start3A_115 : memref<128xi32, #tpu.memory_space<hbm>>) target(%arg7 : memref<128xi32, #tpu.memory_space<vmem>>) target_semaphore(%arg11 : memref<!tpu.dma_semaphore, #tpu.memory_space<semaphore_mem>>)
      } else {
      }
      %add3A_83 = arith.constant 1 : i32
      %add3A_84 = arith.addi %mul3A_54, %add3A_83 : i32
      %mul3A_85 = arith.constant 32 : i32
      %mul3A_86 = arith.muli %add3A_84, %mul3A_85 : i32
      %add3A_87 = arith.addi %add3A, %mul3A_86 : i32
      %mul3A_88 = arith.constant 128 : i32
      %mul3A_89 = arith.muli %add3A_87, %mul3A_88 : i32
      %multiple_of3A_90 = tpu.assume_multiple %mul3A_89, 8 : i32
      %lt3A_91 = arith.constant 2500 : i32
      %lt3A_92 = arith.cmpi slt, %add3A_87, %lt3A_91 : i32
      %convert_element_type3A_93 = arith.extui %lt3A_92 : i1 to i32
      %cond3A_94 = arith.constant 0 : i32
      %cond3A_95 = arith.cmpi ne, %convert_element_type3A_93, %cond3A_94 : i32
      scf.if %cond3A_95 {
        %dma_wait3A = arith.constant 0 : i32
        %dma_wait3A_111 = tpu.memref_slice %arg2[%multiple_of3A_90, %dma_wait3A] : memref<320000x128xf32, #tpu.memory_space<hbm>> -> memref<128x128xf32, #tpu.memory_space<hbm>>
        %dma_wait3A_112 = arith.constant 0 : i32
        %dma_wait3A_113 = tpu.memref_slice %arg2[%multiple_of3A_90, %dma_wait3A_112] : memref<320000x128xf32, #tpu.memory_space<hbm>> -> memref<128x128xf32, #tpu.memory_space<hbm>>
        tpu.wait_dma2 semaphore(%arg12 : memref<!tpu.dma_semaphore, #tpu.memory_space<semaphore_mem>>) src(%dma_wait3A_113 : memref<128x128xf32, #tpu.memory_space<hbm>>) dst(%arg6 : memref<128x128xf32, #tpu.memory_space<vmem>>)
        %dma_wait3A_114 = tpu.memref_slice %arg3[%multiple_of3A_90] : memref<320000xi32, #tpu.memory_space<hbm>> -> memref<128xi32, #tpu.memory_space<hbm>>
        %dma_wait3A_115 = tpu.memref_slice %arg3[%multiple_of3A_90] : memref<320000xi32, #tpu.memory_space<hbm>> -> memref<128xi32, #tpu.memory_space<hbm>>
        tpu.wait_dma2 semaphore(%arg12 : memref<!tpu.dma_semaphore, #tpu.memory_space<semaphore_mem>>) src(%dma_wait3A_115 : memref<128xi32, #tpu.memory_space<hbm>>) dst(%arg8 : memref<128xi32, #tpu.memory_space<vmem>>)
        "tpu.region"() ({
          %run_scoped3A = tpu.sem_alloc : memref<!tpu.dma_semaphore, #tpu.memory_space<semaphore_mem>>
          %dma_start3A = arith.constant 0 : i32
          %dma_start3A_116 = arith.constant 0 : i32
          %dma_start3A_117 = tpu.memref_slice %arg10[%dma_start3A, %dma_start3A_116] : memref<10000x128xf32, #tpu.memory_space<vmem_shared>> -> memref<10000x128xf32, #tpu.memory_space<vmem_shared>>
          tpu.enqueue_indirect_dma source(%arg6 : memref<128x128xf32, #tpu.memory_space<vmem>>) target(%dma_start3A_117 : memref<10000x128xf32, #tpu.memory_space<vmem_shared>>) offsets(%arg8 : memref<128xi32, #tpu.memory_space<vmem>>) semaphore(%run_scoped3A : memref<!tpu.dma_semaphore, #tpu.memory_space<semaphore_mem>>) {add = true}
          %dma_wait3A_118 = arith.constant 0 : i32
          %dma_wait3A_119 = arith.constant 0 : i32
          %dma_wait3A_120 = tpu.memref_slice %arg10[%dma_wait3A_118, %dma_wait3A_119] : memref<10000x128xf32, #tpu.memory_space<vmem_shared>> -> memref<10000x128xf32, #tpu.memory_space<vmem_shared>>
          tpu.wait_indirect_dma semaphore(%run_scoped3A : memref<!tpu.dma_semaphore, #tpu.memory_space<semaphore_mem>>) src(%arg6 : memref<128x128xf32, #tpu.memory_space<vmem>>) dst(%dma_wait3A_120 : memref<10000x128xf32, #tpu.memory_space<vmem_shared>>)
          tpu.yield
        }) : () -> ()
      } else {
      }
      %add3A_96 = arith.constant 1 : i32
      %add3A_97 = arith.addi %mul3A_54, %add3A_96 : i32
      %add3A_98 = arith.constant 2 : i32
      %add3A_99 = arith.addi %add3A_97, %add3A_98 : i32
      %mul3A_100 = arith.constant 32 : i32
      %mul3A_101 = arith.muli %add3A_99, %mul3A_100 : i32
      %add3A_102 = arith.addi %add3A, %mul3A_101 : i32
      %mul3A_103 = arith.constant 128 : i32
      %mul3A_104 = arith.muli %add3A_102, %mul3A_103 : i32
      %multiple_of3A_105 = tpu.assume_multiple %mul3A_104, 8 : i32
      %lt3A_106 = arith.constant 2500 : i32
      %lt3A_107 = arith.cmpi slt, %add3A_102, %lt3A_106 : i32
      %convert_element_type3A_108 = arith.extui %lt3A_107 : i1 to i32
      %cond3A_109 = arith.constant 0 : i32
      %cond3A_110 = arith.cmpi ne, %convert_element_type3A_108, %cond3A_109 : i32
      scf.if %cond3A_110 {
        %dma_start3A = arith.constant 0 : i32
        %dma_start3A_111 = tpu.memref_slice %arg2[%multiple_of3A_105, %dma_start3A] : memref<320000x128xf32, #tpu.memory_space<hbm>> -> memref<128x128xf32, #tpu.memory_space<hbm>>
        %dma_start3A_112 = arith.constant 0 : i32
        %dma_start3A_113 = tpu.memref_slice %arg2[%multiple_of3A_105, %dma_start3A_112] : memref<320000x128xf32, #tpu.memory_space<hbm>> -> memref<128x128xf32, #tpu.memory_space<hbm>>
        tpu.enqueue_dma source(%dma_start3A_113 : memref<128x128xf32, #tpu.memory_space<hbm>>) target(%arg6 : memref<128x128xf32, #tpu.memory_space<vmem>>) target_semaphore(%arg12 : memref<!tpu.dma_semaphore, #tpu.memory_space<semaphore_mem>>)
        %dma_start3A_114 = tpu.memref_slice %arg3[%multiple_of3A_105] : memref<320000xi32, #tpu.memory_space<hbm>> -> memref<128xi32, #tpu.memory_space<hbm>>
        %dma_start3A_115 = tpu.memref_slice %arg3[%multiple_of3A_105] : memref<320000xi32, #tpu.memory_space<hbm>> -> memref<128xi32, #tpu.memory_space<hbm>>
        tpu.enqueue_dma source(%dma_start3A_115 : memref<128xi32, #tpu.memory_space<hbm>>) target(%arg8 : memref<128xi32, #tpu.memory_space<vmem>>) target_semaphore(%arg12 : memref<!tpu.dma_semaphore, #tpu.memory_space<semaphore_mem>>)
      } else {
      }
    }
    %scan3A_40 = arith.constant 40 : i32
    %barrier3A_41 = arith.constant 0 : index
    tpu.barrier barrier_id(%barrier3A_41)
    %lt3A_42 = arith.constant 15 : i32
    %lt3A_43 = arith.cmpi slt, %arg1, %lt3A_42 : i32
    %convert_element_type3A_44 = arith.extui %lt3A_43 : i1 to i32
    %cond3A_45 = arith.constant 0 : i32
    %cond3A_46 = arith.cmpi ne, %convert_element_type3A_44, %cond3A_45 : i32
    scf.if %cond3A_46 {
      %add3A_52 = arith.constant 0 : i32
      %add3A_53 = arith.addi %multiple_of3A, %add3A_52 : i32
      %multiple_of3A_54 = tpu.assume_multiple %add3A_53, 8 : i32
      "tpu.region"() ({
        %run_scoped3A = tpu.sem_alloc : memref<!tpu.dma_semaphore, #tpu.memory_space<semaphore_mem>>
        %dma_start3A = arith.constant 0 : i32
        %dma_start3A_67 = tpu.memref_slice %arg4[%arg0, %multiple_of3A_54, %dma_start3A] : memref<2x10000x128xf32, #tpu.memory_space<hbm>> -> memref<1x128x128xf32, #tpu.memory_space<hbm>>
        %dma_start3A_68 = tpu.memref_squeeze %dma_start3A_67 : memref<1x128x128xf32, #tpu.memory_space<hbm>> -> memref<128x128xf32, #tpu.memory_space<hbm>>
        %dma_start3A_69 = arith.constant 0 : i32
        %dma_start3A_70 = tpu.memref_slice %arg10[%multiple_of3A_54, %dma_start3A_69] : memref<10000x128xf32, #tpu.memory_space<vmem_shared>> -> memref<128x128xf32, #tpu.memory_space<vmem_shared>>
        tpu.enqueue_dma source(%dma_start3A_70 : memref<128x128xf32, #tpu.memory_space<vmem_shared>>) target(%dma_start3A_68 : memref<128x128xf32, #tpu.memory_space<hbm>>) target_semaphore(%run_scoped3A : memref<!tpu.dma_semaphore, #tpu.memory_space<semaphore_mem>>)
        %dma_wait3A = arith.constant 0 : i32
        %dma_wait3A_71 = tpu.memref_slice %arg4[%arg0, %multiple_of3A_54, %dma_wait3A] : memref<2x10000x128xf32, #tpu.memory_space<hbm>> -> memref<1x128x128xf32, #tpu.memory_space<hbm>>
        %dma_wait3A_72 = tpu.memref_squeeze %dma_wait3A_71 : memref<1x128x128xf32, #tpu.memory_space<hbm>> -> memref<128x128xf32, #tpu.memory_space<hbm>>
        %dma_wait3A_73 = arith.constant 0 : i32
        %dma_wait3A_74 = tpu.memref_slice %arg10[%multiple_of3A_54, %dma_wait3A_73] : memref<10000x128xf32, #tpu.memory_space<vmem_shared>> -> memref<128x128xf32, #tpu.memory_space<vmem_shared>>
        tpu.wait_dma2 semaphore(%run_scoped3A : memref<!tpu.dma_semaphore, #tpu.memory_space<semaphore_mem>>) src(%dma_wait3A_74 : memref<128x128xf32, #tpu.memory_space<vmem_shared>>) dst(%dma_wait3A_72 : memref<128x128xf32, #tpu.memory_space<hbm>>)
        tpu.yield
      }) : () -> ()
      %add3A_55 = arith.constant 128 : i32
      %add3A_56 = arith.addi %multiple_of3A, %add3A_55 : i32
      %multiple_of3A_57 = tpu.assume_multiple %add3A_56, 8 : i32
      "tpu.region"() ({
        %run_scoped3A = tpu.sem_alloc : memref<!tpu.dma_semaphore, #tpu.memory_space<semaphore_mem>>
        %dma_start3A = arith.constant 0 : i32
        %dma_start3A_67 = tpu.memref_slice %arg4[%arg0, %multiple_of3A_57, %dma_start3A] : memref<2x10000x128xf32, #tpu.memory_space<hbm>> -> memref<1x128x128xf32, #tpu.memory_space<hbm>>
        %dma_start3A_68 = tpu.memref_squeeze %dma_start3A_67 : memref<1x128x128xf32, #tpu.memory_space<hbm>> -> memref<128x128xf32, #tpu.memory_space<hbm>>
        %dma_start3A_69 = arith.constant 0 : i32
        %dma_start3A_70 = tpu.memref_slice %arg10[%multiple_of3A_57, %dma_start3A_69] : memref<10000x128xf32, #tpu.memory_space<vmem_shared>> -> memref<128x128xf32, #tpu.memory_space<vmem_shared>>
        tpu.enqueue_dma source(%dma_start3A_70 : memref<128x128xf32, #tpu.memory_space<vmem_shared>>) target(%dma_start3A_68 : memref<128x128xf32, #tpu.memory_space<hbm>>) target_semaphore(%run_scoped3A : memref<!tpu.dma_semaphore, #tpu.memory_space<semaphore_mem>>)
        %dma_wait3A = arith.constant 0 : i32
        %dma_wait3A_71 = tpu.memref_slice %arg4[%arg0, %multiple_of3A_57, %dma_wait3A] : memref<2x10000x128xf32, #tpu.memory_space<hbm>> -> memref<1x128x128xf32, #tpu.memory_space<hbm>>
        %dma_wait3A_72 = tpu.memref_squeeze %dma_wait3A_71 : memref<1x128x128xf32, #tpu.memory_space<hbm>> -> memref<128x128xf32, #tpu.memory_space<hbm>>
        %dma_wait3A_73 = arith.constant 0 : i32
        %dma_wait3A_74 = tpu.memref_slice %arg10[%multiple_of3A_57, %dma_wait3A_73] : memref<10000x128xf32, #tpu.memory_space<vmem_shared>> -> memref<128x128xf32, #tpu.memory_space<vmem_shared>>
        tpu.wait_dma2 semaphore(%run_scoped3A : memref<!tpu.dma_semaphore, #tpu.memory_space<semaphore_mem>>) src(%dma_wait3A_74 : memref<128x128xf32, #tpu.memory_space<vmem_shared>>) dst(%dma_wait3A_72 : memref<128x128xf32, #tpu.memory_space<hbm>>)
        tpu.yield
      }) : () -> ()
      %add3A_58 = arith.constant 256 : i32
      %add3A_59 = arith.addi %multiple_of3A, %add3A_58 : i32
      %multiple_of3A_60 = tpu.assume_multiple %add3A_59, 8 : i32
      "tpu.region"() ({
        %run_scoped3A = tpu.sem_alloc : memref<!tpu.dma_semaphore, #tpu.memory_space<semaphore_mem>>
        %dma_start3A = arith.constant 0 : i32
        %dma_start3A_67 = tpu.memref_slice %arg4[%arg0, %multiple_of3A_60, %dma_start3A] : memref<2x10000x128xf32, #tpu.memory_space<hbm>> -> memref<1x128x128xf32, #tpu.memory_space<hbm>>
        %dma_start3A_68 = tpu.memref_squeeze %dma_start3A_67 : memref<1x128x128xf32, #tpu.memory_space<hbm>> -> memref<128x128xf32, #tpu.memory_space<hbm>>
        %dma_start3A_69 = arith.constant 0 : i32
        %dma_start3A_70 = tpu.memref_slice %arg10[%multiple_of3A_60, %dma_start3A_69] : memref<10000x128xf32, #tpu.memory_space<vmem_shared>> -> memref<128x128xf32, #tpu.memory_space<vmem_shared>>
        tpu.enqueue_dma source(%dma_start3A_70 : memref<128x128xf32, #tpu.memory_space<vmem_shared>>) target(%dma_start3A_68 : memref<128x128xf32, #tpu.memory_space<hbm>>) target_semaphore(%run_scoped3A : memref<!tpu.dma_semaphore, #tpu.memory_space<semaphore_mem>>)
        %dma_wait3A = arith.constant 0 : i32
        %dma_wait3A_71 = tpu.memref_slice %arg4[%arg0, %multiple_of3A_60, %dma_wait3A] : memref<2x10000x128xf32, #tpu.memory_space<hbm>> -> memref<1x128x128xf32, #tpu.memory_space<hbm>>
        %dma_wait3A_72 = tpu.memref_squeeze %dma_wait3A_71 : memref<1x128x128xf32, #tpu.memory_space<hbm>> -> memref<128x128xf32, #tpu.memory_space<hbm>>
        %dma_wait3A_73 = arith.constant 0 : i32
        %dma_wait3A_74 = tpu.memref_slice %arg10[%multiple_of3A_60, %dma_wait3A_73] : memref<10000x128xf32, #tpu.memory_space<vmem_shared>> -> memref<128x128xf32, #tpu.memory_space<vmem_shared>>
        tpu.wait_dma2 semaphore(%run_scoped3A : memref<!tpu.dma_semaphore, #tpu.memory_space<semaphore_mem>>) src(%dma_wait3A_74 : memref<128x128xf32, #tpu.memory_space<vmem_shared>>) dst(%dma_wait3A_72 : memref<128x128xf32, #tpu.memory_space<hbm>>)
        tpu.yield
      }) : () -> ()
      %add3A_61 = arith.constant 384 : i32
      %add3A_62 = arith.addi %multiple_of3A, %add3A_61 : i32
      %multiple_of3A_63 = tpu.assume_multiple %add3A_62, 8 : i32
      "tpu.region"() ({
        %run_scoped3A = tpu.sem_alloc : memref<!tpu.dma_semaphore, #tpu.memory_space<semaphore_mem>>
        %dma_start3A = arith.constant 0 : i32
        %dma_start3A_67 = tpu.memref_slice %arg4[%arg0, %multiple_of3A_63, %dma_start3A] : memref<2x10000x128xf32, #tpu.memory_space<hbm>> -> memref<1x128x128xf32, #tpu.memory_space<hbm>>
        %dma_start3A_68 = tpu.memref_squeeze %dma_start3A_67 : memref<1x128x128xf32, #tpu.memory_space<hbm>> -> memref<128x128xf32, #tpu.memory_space<hbm>>
        %dma_start3A_69 = arith.constant 0 : i32
        %dma_start3A_70 = tpu.memref_slice %arg10[%multiple_of3A_63, %dma_start3A_69] : memref<10000x128xf32, #tpu.memory_space<vmem_shared>> -> memref<128x128xf32, #tpu.memory_space<vmem_shared>>
        tpu.enqueue_dma source(%dma_start3A_70 : memref<128x128xf32, #tpu.memory_space<vmem_shared>>) target(%dma_start3A_68 : memref<128x128xf32, #tpu.memory_space<hbm>>) target_semaphore(%run_scoped3A : memref<!tpu.dma_semaphore, #tpu.memory_space<semaphore_mem>>)
        %dma_wait3A = arith.constant 0 : i32
        %dma_wait3A_71 = tpu.memref_slice %arg4[%arg0, %multiple_of3A_63, %dma_wait3A] : memref<2x10000x128xf32, #tpu.memory_space<hbm>> -> memref<1x128x128xf32, #tpu.memory_space<hbm>>
        %dma_wait3A_72 = tpu.memref_squeeze %dma_wait3A_71 : memref<1x128x128xf32, #tpu.memory_space<hbm>> -> memref<128x128xf32, #tpu.memory_space<hbm>>
        %dma_wait3A_73 = arith.constant 0 : i32
        %dma_wait3A_74 = tpu.memref_slice %arg10[%multiple_of3A_63, %dma_wait3A_73] : memref<10000x128xf32, #tpu.memory_space<vmem_shared>> -> memref<128x128xf32, #tpu.memory_space<vmem_shared>>
        tpu.wait_dma2 semaphore(%run_scoped3A : memref<!tpu.dma_semaphore, #tpu.memory_space<semaphore_mem>>) src(%dma_wait3A_74 : memref<128x128xf32, #tpu.memory_space<vmem_shared>>) dst(%dma_wait3A_72 : memref<128x128xf32, #tpu.memory_space<hbm>>)
        tpu.yield
      }) : () -> ()
      %add3A_64 = arith.constant 512 : i32
      %add3A_65 = arith.addi %multiple_of3A, %add3A_64 : i32
      %multiple_of3A_66 = tpu.assume_multiple %add3A_65, 8 : i32
      "tpu.region"() ({
        %run_scoped3A = tpu.sem_alloc : memref<!tpu.dma_semaphore, #tpu.memory_space<semaphore_mem>>
        %dma_start3A = arith.constant 0 : i32
        %dma_start3A_67 = tpu.memref_slice %arg4[%arg0, %multiple_of3A_66, %dma_start3A] : memref<2x10000x128xf32, #tpu.memory_space<hbm>> -> memref<1x120x128xf32, #tpu.memory_space<hbm>>
        %dma_start3A_68 = tpu.memref_squeeze %dma_start3A_67 : memref<1x120x128xf32, #tpu.memory_space<hbm>> -> memref<120x128xf32, #tpu.memory_space<hbm>>
        %dma_start3A_69 = arith.constant 0 : i32
        %dma_start3A_70 = tpu.memref_slice %arg10[%multiple_of3A_66, %dma_start3A_69] : memref<10000x128xf32, #tpu.memory_space<vmem_shared>> -> memref<120x128xf32, #tpu.memory_space<vmem_shared>>
        tpu.enqueue_dma source(%dma_start3A_70 : memref<120x128xf32, #tpu.memory_space<vmem_shared>>) target(%dma_start3A_68 : memref<120x128xf32, #tpu.memory_space<hbm>>) target_semaphore(%run_scoped3A : memref<!tpu.dma_semaphore, #tpu.memory_space<semaphore_mem>>)
        %dma_wait3A = arith.constant 0 : i32
        %dma_wait3A_71 = tpu.memref_slice %arg4[%arg0, %multiple_of3A_66, %dma_wait3A] : memref<2x10000x128xf32, #tpu.memory_space<hbm>> -> memref<1x120x128xf32, #tpu.memory_space<hbm>>
        %dma_wait3A_72 = tpu.memref_squeeze %dma_wait3A_71 : memref<1x120x128xf32, #tpu.memory_space<hbm>> -> memref<120x128xf32, #tpu.memory_space<hbm>>
        %dma_wait3A_73 = arith.constant 0 : i32
        %dma_wait3A_74 = tpu.memref_slice %arg10[%multiple_of3A_66, %dma_wait3A_73] : memref<10000x128xf32, #tpu.memory_space<vmem_shared>> -> memref<120x128xf32, #tpu.memory_space<vmem_shared>>
        tpu.wait_dma2 semaphore(%run_scoped3A : memref<!tpu.dma_semaphore, #tpu.memory_space<semaphore_mem>>) src(%dma_wait3A_74 : memref<120x128xf32, #tpu.memory_space<vmem_shared>>) dst(%dma_wait3A_72 : memref<120x128xf32, #tpu.memory_space<hbm>>)
        tpu.yield
      }) : () -> ()
    } else {
    }
    %eq3A_47 = arith.constant 15 : i32
    %eq3A_48 = arith.cmpi eq, %arg1, %eq3A_47 : i32
    %convert_element_type3A_49 = arith.extui %eq3A_48 : i1 to i32
    %cond3A_50 = arith.constant 0 : i32
    %cond3A_51 = arith.cmpi ne, %convert_element_type3A_49, %cond3A_50 : i32
    scf.if %cond3A_51 {
      %add3A_52 = arith.constant 0 : i32
      %add3A_53 = arith.addi %multiple_of3A, %add3A_52 : i32
      %multiple_of3A_54 = tpu.assume_multiple %add3A_53, 8 : i32
      "tpu.region"() ({
        %run_scoped3A = tpu.sem_alloc : memref<!tpu.dma_semaphore, #tpu.memory_space<semaphore_mem>>
        %dma_start3A = arith.constant 0 : i32
        %dma_start3A_67 = tpu.memref_slice %arg4[%arg0, %multiple_of3A_54, %dma_start3A] : memref<2x10000x128xf32, #tpu.memory_space<hbm>> -> memref<1x128x128xf32, #tpu.memory_space<hbm>>
        %dma_start3A_68 = tpu.memref_squeeze %dma_start3A_67 : memref<1x128x128xf32, #tpu.memory_space<hbm>> -> memref<128x128xf32, #tpu.memory_space<hbm>>
        %dma_start3A_69 = arith.constant 0 : i32
        %dma_start3A_70 = tpu.memref_slice %arg10[%multiple_of3A_54, %dma_start3A_69] : memref<10000x128xf32, #tpu.memory_space<vmem_shared>> -> memref<128x128xf32, #tpu.memory_space<vmem_shared>>
        tpu.enqueue_dma source(%dma_start3A_70 : memref<128x128xf32, #tpu.memory_space<vmem_shared>>) target(%dma_start3A_68 : memref<128x128xf32, #tpu.memory_space<hbm>>) target_semaphore(%run_scoped3A : memref<!tpu.dma_semaphore, #tpu.memory_space<semaphore_mem>>)
        %dma_wait3A = arith.constant 0 : i32
        %dma_wait3A_71 = tpu.memref_slice %arg4[%arg0, %multiple_of3A_54, %dma_wait3A] : memref<2x10000x128xf32, #tpu.memory_space<hbm>> -> memref<1x128x128xf32, #tpu.memory_space<hbm>>
        %dma_wait3A_72 = tpu.memref_squeeze %dma_wait3A_71 : memref<1x128x128xf32, #tpu.memory_space<hbm>> -> memref<128x128xf32, #tpu.memory_space<hbm>>
        %dma_wait3A_73 = arith.constant 0 : i32
        %dma_wait3A_74 = tpu.memref_slice %arg10[%multiple_of3A_54, %dma_wait3A_73] : memref<10000x128xf32, #tpu.memory_space<vmem_shared>> -> memref<128x128xf32, #tpu.memory_space<vmem_shared>>
        tpu.wait_dma2 semaphore(%run_scoped3A : memref<!tpu.dma_semaphore, #tpu.memory_space<semaphore_mem>>) src(%dma_wait3A_74 : memref<128x128xf32, #tpu.memory_space<vmem_shared>>) dst(%dma_wait3A_72 : memref<128x128xf32, #tpu.memory_space<hbm>>)
        tpu.yield
      }) : () -> ()
      %add3A_55 = arith.constant 128 : i32
      %add3A_56 = arith.addi %multiple_of3A, %add3A_55 : i32
      %multiple_of3A_57 = tpu.assume_multiple %add3A_56, 8 : i32
      "tpu.region"() ({
        %run_scoped3A = tpu.sem_alloc : memref<!tpu.dma_semaphore, #tpu.memory_space<semaphore_mem>>
        %dma_start3A = arith.constant 0 : i32
        %dma_start3A_67 = tpu.memref_slice %arg4[%arg0, %multiple_of3A_57, %dma_start3A] : memref<2x10000x128xf32, #tpu.memory_space<hbm>> -> memref<1x128x128xf32, #tpu.memory_space<hbm>>
        %dma_start3A_68 = tpu.memref_squeeze %dma_start3A_67 : memref<1x128x128xf32, #tpu.memory_space<hbm>> -> memref<128x128xf32, #tpu.memory_space<hbm>>
        %dma_start3A_69 = arith.constant 0 : i32
        %dma_start3A_70 = tpu.memref_slice %arg10[%multiple_of3A_57, %dma_start3A_69] : memref<10000x128xf32, #tpu.memory_space<vmem_shared>> -> memref<128x128xf32, #tpu.memory_space<vmem_shared>>
        tpu.enqueue_dma source(%dma_start3A_70 : memref<128x128xf32, #tpu.memory_space<vmem_shared>>) target(%dma_start3A_68 : memref<128x128xf32, #tpu.memory_space<hbm>>) target_semaphore(%run_scoped3A : memref<!tpu.dma_semaphore, #tpu.memory_space<semaphore_mem>>)
        %dma_wait3A = arith.constant 0 : i32
        %dma_wait3A_71 = tpu.memref_slice %arg4[%arg0, %multiple_of3A_57, %dma_wait3A] : memref<2x10000x128xf32, #tpu.memory_space<hbm>> -> memref<1x128x128xf32, #tpu.memory_space<hbm>>
        %dma_wait3A_72 = tpu.memref_squeeze %dma_wait3A_71 : memref<1x128x128xf32, #tpu.memory_space<hbm>> -> memref<128x128xf32, #tpu.memory_space<hbm>>
        %dma_wait3A_73 = arith.constant 0 : i32
        %dma_wait3A_74 = tpu.memref_slice %arg10[%multiple_of3A_57, %dma_wait3A_73] : memref<10000x128xf32, #tpu.memory_space<vmem_shared>> -> memref<128x128xf32, #tpu.memory_space<vmem_shared>>
        tpu.wait_dma2 semaphore(%run_scoped3A : memref<!tpu.dma_semaphore, #tpu.memory_space<semaphore_mem>>) src(%dma_wait3A_74 : memref<128x128xf32, #tpu.memory_space<vmem_shared>>) dst(%dma_wait3A_72 : memref<128x128xf32, #tpu.memory_space<hbm>>)
        tpu.yield
      }) : () -> ()
      %add3A_58 = arith.constant 256 : i32
      %add3A_59 = arith.addi %multiple_of3A, %add3A_58 : i32
      %multiple_of3A_60 = tpu.assume_multiple %add3A_59, 8 : i32
      "tpu.region"() ({
        %run_scoped3A = tpu.sem_alloc : memref<!tpu.dma_semaphore, #tpu.memory_space<semaphore_mem>>
        %dma_start3A = arith.constant 0 : i32
        %dma_start3A_67 = tpu.memref_slice %arg4[%arg0, %multiple_of3A_60, %dma_start3A] : memref<2x10000x128xf32, #tpu.memory_space<hbm>> -> memref<1x128x128xf32, #tpu.memory_space<hbm>>
        %dma_start3A_68 = tpu.memref_squeeze %dma_start3A_67 : memref<1x128x128xf32, #tpu.memory_space<hbm>> -> memref<128x128xf32, #tpu.memory_space<hbm>>
        %dma_start3A_69 = arith.constant 0 : i32
        %dma_start3A_70 = tpu.memref_slice %arg10[%multiple_of3A_60, %dma_start3A_69] : memref<10000x128xf32, #tpu.memory_space<vmem_shared>> -> memref<128x128xf32, #tpu.memory_space<vmem_shared>>
        tpu.enqueue_dma source(%dma_start3A_70 : memref<128x128xf32, #tpu.memory_space<vmem_shared>>) target(%dma_start3A_68 : memref<128x128xf32, #tpu.memory_space<hbm>>) target_semaphore(%run_scoped3A : memref<!tpu.dma_semaphore, #tpu.memory_space<semaphore_mem>>)
        %dma_wait3A = arith.constant 0 : i32
        %dma_wait3A_71 = tpu.memref_slice %arg4[%arg0, %multiple_of3A_60, %dma_wait3A] : memref<2x10000x128xf32, #tpu.memory_space<hbm>> -> memref<1x128x128xf32, #tpu.memory_space<hbm>>
        %dma_wait3A_72 = tpu.memref_squeeze %dma_wait3A_71 : memref<1x128x128xf32, #tpu.memory_space<hbm>> -> memref<128x128xf32, #tpu.memory_space<hbm>>
        %dma_wait3A_73 = arith.constant 0 : i32
        %dma_wait3A_74 = tpu.memref_slice %arg10[%multiple_of3A_60, %dma_wait3A_73] : memref<10000x128xf32, #tpu.memory_space<vmem_shared>> -> memref<128x128xf32, #tpu.memory_space<vmem_shared>>
        tpu.wait_dma2 semaphore(%run_scoped3A : memref<!tpu.dma_semaphore, #tpu.memory_space<semaphore_mem>>) src(%dma_wait3A_74 : memref<128x128xf32, #tpu.memory_space<vmem_shared>>) dst(%dma_wait3A_72 : memref<128x128xf32, #tpu.memory_space<hbm>>)
        tpu.yield
      }) : () -> ()
      %add3A_61 = arith.constant 384 : i32
      %add3A_62 = arith.addi %multiple_of3A, %add3A_61 : i32
      %multiple_of3A_63 = tpu.assume_multiple %add3A_62, 8 : i32
      "tpu.region"() ({
        %run_scoped3A = tpu.sem_alloc : memref<!tpu.dma_semaphore, #tpu.memory_space<semaphore_mem>>
        %dma_start3A = arith.constant 0 : i32
        %dma_start3A_67 = tpu.memref_slice %arg4[%arg0, %multiple_of3A_63, %dma_start3A] : memref<2x10000x128xf32, #tpu.memory_space<hbm>> -> memref<1x128x128xf32, #tpu.memory_space<hbm>>
        %dma_start3A_68 = tpu.memref_squeeze %dma_start3A_67 : memref<1x128x128xf32, #tpu.memory_space<hbm>> -> memref<128x128xf32, #tpu.memory_space<hbm>>
        %dma_start3A_69 = arith.constant 0 : i32
        %dma_start3A_70 = tpu.memref_slice %arg10[%multiple_of3A_63, %dma_start3A_69] : memref<10000x128xf32, #tpu.memory_space<vmem_shared>> -> memref<128x128xf32, #tpu.memory_space<vmem_shared>>
        tpu.enqueue_dma source(%dma_start3A_70 : memref<128x128xf32, #tpu.memory_space<vmem_shared>>) target(%dma_start3A_68 : memref<128x128xf32, #tpu.memory_space<hbm>>) target_semaphore(%run_scoped3A : memref<!tpu.dma_semaphore, #tpu.memory_space<semaphore_mem>>)
        %dma_wait3A = arith.constant 0 : i32
        %dma_wait3A_71 = tpu.memref_slice %arg4[%arg0, %multiple_of3A_63, %dma_wait3A] : memref<2x10000x128xf32, #tpu.memory_space<hbm>> -> memref<1x128x128xf32, #tpu.memory_space<hbm>>
        %dma_wait3A_72 = tpu.memref_squeeze %dma_wait3A_71 : memref<1x128x128xf32, #tpu.memory_space<hbm>> -> memref<128x128xf32, #tpu.memory_space<hbm>>
        %dma_wait3A_73 = arith.constant 0 : i32
        %dma_wait3A_74 = tpu.memref_slice %arg10[%multiple_of3A_63, %dma_wait3A_73] : memref<10000x128xf32, #tpu.memory_space<vmem_shared>> -> memref<128x128xf32, #tpu.memory_space<vmem_shared>>
        tpu.wait_dma2 semaphore(%run_scoped3A : memref<!tpu.dma_semaphore, #tpu.memory_space<semaphore_mem>>) src(%dma_wait3A_74 : memref<128x128xf32, #tpu.memory_space<vmem_shared>>) dst(%dma_wait3A_72 : memref<128x128xf32, #tpu.memory_space<hbm>>)
        tpu.yield
      }) : () -> ()
      %add3A_64 = arith.constant 512 : i32
      %add3A_65 = arith.addi %multiple_of3A, %add3A_64 : i32
      %multiple_of3A_66 = tpu.assume_multiple %add3A_65, 8 : i32
      "tpu.region"() ({
        %run_scoped3A = tpu.sem_alloc : memref<!tpu.dma_semaphore, #tpu.memory_space<semaphore_mem>>
        %dma_start3A = arith.constant 0 : i32
        %dma_start3A_67 = tpu.memref_slice %arg4[%arg0, %multiple_of3A_66, %dma_start3A] : memref<2x10000x128xf32, #tpu.memory_space<hbm>> -> memref<1x8x128xf32, #tpu.memory_space<hbm>>
        %dma_start3A_68 = tpu.memref_squeeze %dma_start3A_67 : memref<1x8x128xf32, #tpu.memory_space<hbm>> -> memref<8x128xf32, #tpu.memory_space<hbm>>
        %dma_start3A_69 = arith.constant 0 : i32
        %dma_start3A_70 = tpu.memref_slice %arg10[%multiple_of3A_66, %dma_start3A_69] : memref<10000x128xf32, #tpu.memory_space<vmem_shared>> -> memref<8x128xf32, #tpu.memory_space<vmem_shared>>
        tpu.enqueue_dma source(%dma_start3A_70 : memref<8x128xf32, #tpu.memory_space<vmem_shared>>) target(%dma_start3A_68 : memref<8x128xf32, #tpu.memory_space<hbm>>) target_semaphore(%run_scoped3A : memref<!tpu.dma_semaphore, #tpu.memory_space<semaphore_mem>>)
        %dma_wait3A = arith.constant 0 : i32
        %dma_wait3A_71 = tpu.memref_slice %arg4[%arg0, %multiple_of3A_66, %dma_wait3A] : memref<2x10000x128xf32, #tpu.memory_space<hbm>> -> memref<1x8x128xf32, #tpu.memory_space<hbm>>
        %dma_wait3A_72 = tpu.memref_squeeze %dma_wait3A_71 : memref<1x8x128xf32, #tpu.memory_space<hbm>> -> memref<8x128xf32, #tpu.memory_space<hbm>>
        %dma_wait3A_73 = arith.constant 0 : i32
        %dma_wait3A_74 = tpu.memref_slice %arg10[%multiple_of3A_66, %dma_wait3A_73] : memref<10000x128xf32, #tpu.memory_space<vmem_shared>> -> memref<8x128xf32, #tpu.memory_space<vmem_shared>>
        tpu.wait_dma2 semaphore(%run_scoped3A : memref<!tpu.dma_semaphore, #tpu.memory_space<semaphore_mem>>) src(%dma_wait3A_74 : memref<8x128xf32, #tpu.memory_space<vmem_shared>>) dst(%dma_wait3A_72 : memref<8x128xf32, #tpu.memory_space<hbm>>)
        tpu.yield
      }) : () -> ()
    } else {
    }
    return
  }
}

module attributes {stable_mosaic.version = 14 : i64} {
  func.func @mk(%arg0: i32, %arg1: memref<1000x128xf32, #tpu.memory_space<vmem>>, %arg2: memref<1000x128xf32, #tpu.memory_space<vmem>>, %arg3: memref<1000x128xf32, #tpu.memory_space<vmem>>) attributes {dimension_semantics = [#tpu.dimension_semantics<arbitrary>], iteration_bounds = array<i64: 10>, scalar_prefetch = 0 : i64, scratch_operands = 0 : i64, tpu.core_type = #tpu.core_type<tc>, window_params = [{transform_indices = @transform_0, window_bounds = array<i64: 1000, 128>}, {transform_indices = @transform_1, window_bounds = array<i64: 1000, 128>}, {transform_indices = @transform_2, window_bounds = array<i64: 1000, 128>}]} {
    %get3A = arith.constant 0 : index
    %get3A_0 = arith.constant 0 : index
    %get3A_1 = vector.load %arg1[%get3A, %get3A_0] : memref<1000x128xf32, #tpu.memory_space<vmem>>, vector<1000x128xf32>
    %get3A_2 = arith.constant 0 : index
    %get3A_3 = arith.constant 0 : index
    %get3A_4 = vector.load %arg2[%get3A_2, %get3A_3] : memref<1000x128xf32, #tpu.memory_space<vmem>>, vector<1000x128xf32>
    %add3A = arith.addf %get3A_1, %get3A_4 : vector<1000x128xf32>
    %swap3A = arith.constant 0 : index
    %swap3A_5 = arith.constant 0 : index
    %swap3A_6 = vector.load %arg3[%swap3A, %swap3A_5] : memref<1000x128xf32, #tpu.memory_space<vmem>>, vector<1000x128xf32>
    tpu.vector_store %arg3[%swap3A, %swap3A_5], %add3A {strides = array<i32>} : memref<1000x128xf32, #tpu.memory_space<vmem>>, vector<1000x128xf32>,
    return
  }
  func.func @transform_0(%arg0: i32) -> (i32, i32) {
    %c0_i32 = arith.constant 0 : i32
    %c0_i32_0 = arith.constant 0 : i32
    return %arg0, %c0_i32 : i32, i32
  }
  func.func @transform_1(%arg0: i32) -> (i32, i32) {
    %c0_i32 = arith.constant 0 : i32
    %c0_i32_0 = arith.constant 0 : i32
    return %arg0, %c0_i32 : i32, i32
  }
  func.func @transform_2(%arg0: i32) -> (i32, i32) {
    %c0_i32 = arith.constant 0 : i32
    %c0_i32_0 = arith.constant 0 : i32
    return %arg0, %c0_i32 : i32, i32
  }
}

</mosaic_0001>

<sc_bundles>
// kernel: kernel.4.cloned.1.call-start
scs
__scs_entry_jumppad:
0x0: {  	(pc) =	sbr.rel $0x88, $3  }
0x1: {  	(tag) =	ssettag $0x0;
	lr =	simm.s32 $0x1  }
0x2: {  	[smem:$0x3F9F] =	sst lr;
	_ =	strace $0xD0000000  }
0x3: {  	_ = 	snop  }
0x4: {  	_ = 	snop  }
0x5: {  	_ = 	snop  }
0x6: {  	_ = 	snop  }
0x7: {  	_ = 	snop  }
__scs_overlays_trampoline_lowered:
0x8: {  	[smem:$0x3FAE] =	sst s0  }
0x9: {  	[smem:$0x3FAF] =	sst s1  }
0xa: {  	[smem:$0x3FB0] =	sst s2  }
0xb: {  	[smem:$0x3FB1] =	sst s3  }
0xc: {  	[smem:$0x3FB2] =	sst s4  }
0xd: {  	[smem:$0x3FB3] =	sst s5  }
0xe: {  	[smem:$0x3FB4] =	sst s6  }
0xf: {  	[smem:$0x3FB5] =	sst s7  }
0x10: {  	[smem:$0x3FB6] =	sst s8  }
0x11: {  	[smem:$0x3FB7] =	sst s9;
	s0 =	simm.s32 @!p0 $0x0  }
0x12: {  	s1 =	sld [smem:$0x3F9D];
	s0 =	simm.s32 @p0 $0x1  }
0x13: {  	[smem:$0x3FB8] =	sst s0;
	s0 =	simm.s32 @!p1 $0x0  }
0x14: {  	s2 =	sld [smem:$0x3F9C];
	s0 =	simm.s32 @p1 $0x1  }
0x15: {  	[smem:$0x3FB9] =	sst s0;
	s0 =	simm.s32 @!p2 $0x0  }
0x16: {  	s3 =	sld [smem:$0x3FDB];
	s0 =	simm.s32 @p2 $0x1  }
0x17: {  	s4 =	simm.s32 $0x1BF5;
	[smem:$0x3FBB] =	sst s0  }
0x18: {  	s0 =	sld [smem:$0x3F9E];
	_ =	swait.ge [sflag:s4], $0x0  }
0x19: {  	s7 =	sld [smem:$0x3F9F]  }
0x1a: {  	s8 =	sadd.s32 $0xFFFFE003, lr  }
0x1b: {  	s9 =	sadd.s32 $0xFFFFFEF7, lr;
	s5 =	simm.s32 $0xFFFFFFFF;
	p2 =	slt.u32 s8, $0xFFFFF086  }
0x1c: {  	p1 =	slt.u32 s9, $0xF7A;
	s5 =	simm.s32 @!p2 $0x0  }
0x1d: {  	s5 =	simm.s32 @p1 $0x1;
	p0 =	seq.s32 s7, s2  }
0x1e: {  	s7 =	smul.u32 @!p0 $0xF7A, s2;
	p2 =	seq.s32 @!p0 s5, $0x0  }
0x1f: {  	s9 =	smul.u32 $0xF7A, s1;
	s8 =	simm.s32 @!p0 $0x1BF5;
	p2 =	por !p2, p0  }
0x20: {  	[sflag:s8] =	ssyncset.s32 @!p0 $0xFFFFF086;
	s6 =	sadd.s32 @!p0 s3, s7;
	s7 =	simm.s32 @!p0 $0x108  }
0x21: {  	s3 =	sadd.s32 s3, s9;
	s6 =	sadd.s32 @!p0 $0x88, s6;
	s7 =	simm.s32 @p2 $0x1082  }
0x22: {  	[simem:s7], [sflag:s8] =	dma.local @!p0 [hbm:s6], $0xF7A  }
0x23: {  	s9 =	sor.u32 $0xD0000000, s2;
	s6 =	simm.s32 $0x108;
	_ =	swait.ge @!p0 [sflag:s8], $0x0  }
0x24: {  	s3 =	sadd.s32 $0x88, s3;
	s6 =	simm.s32 @!p1 $0x1082;
	[sflag:s4] =	ssyncset.s32 $0xFFFFF086  }
0x25: {  	[simem:s6], [sflag:s4] =	dma.local [hbm:s3], $0xF7A  }
0x26: {  	[smem:$0x3F9F] =	sst s1;
	(tag) =	ssettag s2;
	_ =	strace s9  }
0x27: {  	s1 =	sld [smem:$0x3FAF]  }
0x28: {  	s2 =	sld [smem:$0x3FB0]  }
0x29: {  	s4 =	sld [smem:$0x3FB2]  }
0x2a: {  	p0 =	seq.s32 s5, $0x0;
	s5 =	sld [smem:$0x3FB3]  }
0x2b: {  	s6 =	sld [smem:$0x3FB4]  }
0x2c: {  	s7 =	sld [smem:$0x3FB5]  }
0x2d: {  	s3 =	simm.s32 $0x108;
	s8 =	sld [smem:$0x3FB6]  }
0x2e: {  	s3 =	simm.s32 @!p0 $0x1082;
	s9 =	sld [smem:$0x3FB7]  }
0x2f: {  	lr =	sadd.s32 s0, s3;
	s0 =	sld [smem:$0x3FAE]  }
0x30: {  	s3 =	sld [smem:$0x3FB1]  }
0x31: {  	[smem:$0x3FBA] =	sst s10  }
0x32: {  	s10 =	sld [smem:$0x3FB8];
	_ =	sdelay $0x3  }
0x33: {  	p0 =	seq.s32 s10, $0x1;
	s10 =	sld [smem:$0x3FBA];
	_ =	sdelay $0x3  }
0x34: {  	[smem:$0x3FBA] =	sst s10  }
0x35: {  	s10 =	sld [smem:$0x3FB9];
	_ =	sdelay $0x3  }
0x36: {  	p1 =	seq.s32 s10, $0x1;
	s10 =	sld [smem:$0x3FBA];
	_ =	sdelay $0x3  }
0x37: {  	[smem:$0x3FBA] =	sst s10  }
0x38: {  	s10 =	sld [smem:$0x3FBB]  }
0x39: {  	_ = 	snop;
	(pc) =	sbr.ind lr, $3  }
0x3a: {  	_ = 	snop  }
0x3b: {  	_ = 	snop  }
0x3c: {  	p2 =	seq.s32 s10, $0x1;
	s10 =	sld [smem:$0x3FBA]  }
0x3d: {  	_ =	shalt  }
0x3e: {  	_ =	shalt  }
0x3f: {  	_ =	shalt  }
0x40: {  	_ =	shalt  }
0x41: {  	_ =	shalt  }
0x42: {  	_ =	shalt  }
0x43: {  	_ =	shalt  }
0x44: {  	_ =	shalt  }
0x45: {  	_ =	shalt  }
0x46: {  	_ =	shalt  }
0x47: {  	_ =	shalt  }
0x48: {  	_ =	shalt  }
0x49: {  	_ =	shalt  }
0x4a: {  	_ =	shalt  }
0x4b: {  	_ =	shalt  }
0x4c: {  	_ =	shalt  }
0x4d: {  	_ =	shalt  }
0x4e: {  	_ =	shalt  }
0x4f: {  	_ =	shalt  }
0x50: {  	_ =	shalt  }
0x51: {  	_ =	shalt  }
0x52: {  	_ =	shalt  }
0x53: {  	_ =	shalt  }
0x54: {  	_ =	shalt  }
0x55: {  	_ =	shalt  }
0x56: {  	_ =	shalt  }
0x57: {  	_ =	shalt  }
0x58: {  	_ =	shalt  }
0x59: {  	_ =	shalt  }
0x5a: {  	_ =	shalt  }
0x5b: {  	_ =	shalt  }
0x5c: {  	_ =	shalt  }
0x5d: {  	_ =	shalt  }
0x5e: {  	_ =	shalt  }
0x5f: {  	_ =	shalt  }
0x60: {  	_ =	shalt  }
0x61: {  	_ =	shalt  }
0x62: {  	_ =	shalt  }
0x63: {  	_ =	shalt  }
0x64: {  	_ =	shalt  }
0x65: {  	_ =	shalt  }
0x66: {  	_ =	shalt  }
0x67: {  	_ =	shalt  }
0x68: {  	_ =	shalt  }
0x69: {  	_ =	shalt  }
0x6a: {  	_ =	shalt  }
0x6b: {  	_ =	shalt  }
0x6c: {  	_ =	shalt  }
0x6d: {  	_ =	shalt  }
0x6e: {  	_ =	shalt  }
0x6f: {  	_ =	shalt  }
0x70: {  	_ =	shalt  }
0x71: {  	_ =	shalt  }
0x72: {  	_ =	shalt  }
0x73: {  	_ =	shalt  }
0x74: {  	_ =	shalt  }
0x75: {  	_ =	shalt  }
0x76: {  	_ =	shalt  }
0x77: {  	_ =	shalt  }
0x78: {  	_ =	shalt  }
0x79: {  	_ =	shalt  }
0x7a: {  	_ =	shalt  }
0x7b: {  	_ =	shalt  }
0x7c: {  	_ =	shalt  }
0x7d: {  	_ =	shalt  }
0x7e: {  	_ =	shalt  }
0x7f: {  	_ =	shalt  }
0x80: {  	_ =	shalt  }
0x81: {  	_ =	shalt  }
0x82: {  	_ =	shalt  }
0x83: {  	_ =	shalt  }
0x84: {  	_ =	shalt  }
0x85: {  	_ =	shalt  }
0x86: {  	_ =	shalt  }
0x87: {  	_ =	shalt  }
.Lfunc_end0:
.L_simem_size_0:
called_computation_lowered:
.L_overlay_start_0:
0x88: {  	s2 =	sld [smem:$0x3FD9]  }
0x89: {  	s3 =	sld [smem:$0x3FFE];
	_ =	sdelay $0x1  }
0x8a: {  	s1 =	srdreg.scid  }
0x8b: {  	s0 =	sand.u32 $0x1, s1  }
0x8c: {  	s17 =	sshll.u32 s0, $0xA;
	s2 =	sadd.s32 s3, s2  }
0x8d: {  	s2 =	sadd.s32 s2, s17  }
0x8e: {  	[smem:$0x3FC6] =	sst s2  }
0x8f: {  	_ = 	snop  }
0x90: {  	s2 =	sld [smem:$0x3FC9]  }
0x91: {  	s18 =	sld [smem:$0x3FC8];
	(tm) =	ssettm $0x1  }
0x92: {  	s4 =	sld [smem:$0x3FFB];
	_ =	sdelay $0x3  }
0x93: {  	_ =	strace s4  }
0x94: {  	s4 =	sld [smem:$0x3FFC];
	_ =	sdelay $0x3  }
0x95: {  	_ =	strace s4  }
0x96: {  	s4 =	sld [smem:$0x3FFD];
	_ =	sdelay $0x3  }
0x97: {  	_ =	strace s4  }
0x98: {  	_ =	strace $0x8FFFFFFF  }
0x99: {  	s19 =	sld [smem:$0x3FDB];
	_ =	sdelay $0x1  }
0x9a: {  	s5 =	simm.s32 $_scs_section_size  }
0x9b: {  	s6 =	simm.s32 $_size__tile_overlayer_lowered;
	s7 =	simm.s32 $_tile_overlayer_lowered  }
0x9c: {  	s22 =	simm.s32 $0x1BFF;
	s21 =	sshll.u32 s7, $0x1;
	s4 =	sadd.s32 s5, s19  }
0x9d: {  	s8 =	simm.s32 $0x0;
	s20 =	sshll.u32 s6, $0x1;
	s6 =	sadd.s32 s21, s4  }
0x9e: {  	[timem:s8], [sflag:s22] =	dma.local [hbm:s6], s20  }
0x9f: {  	_ =	swait.ge [sflag:s22], s20  }
0xa0: {  	s5 =	ssub.s32 $0x0, s20;
	[sflag:s22] =	ssyncset.done $0x0  }
0xa1: {  	[sflag:s22] =	ssyncadd.s32 s5;
	_ =	sdelay $0x1  }
0xa2: {  	s23 =	simm.s32 $0x1B8B  }
0xa3: {  	_ =	swait.ge [sflag:s23], $0x1  }
0xa4: {  	[sflag:s23] =	ssyncset.done $0x0  }
0xa5: {  	s25 =	simm.s32 $0x1B8E;
	s24 =	sld [smem:$0x3FFE];
	[sflag:s23] =	ssyncadd.s32 $0xFFFFFFFF  }
0xa6: {  	s26 =	simm.s32 $execute0_lowered;
	[smem:$0x3FD2] =	sst s25  }
0xa7: {  	s6 =	sshll.u32 s26, $0x1;
	_ =	strace $0x80000046;
	[dreg:$0x1] =	wrdreg $0xFFFFFFFF  }
0xa8: {  	s28 =	simm.s32 $_size_execute0_lowered;
	s4 =	sadd.s32 s4, s6;
	[dreg:$0x0] =	wrdreg $0x0  }
0xa9: {  	s6 =	sshll.u32 s28, $0x1;
	[dreg:$0x2] =	wrdreg s4  }
0xaa: {  	[dreg:$0x3] =	wrdreg s6  }
0xab: {  	[dreg:$0x4] =	wrdreg $0xC0  }
0xac: {  	_ =	task [dreg:s8], $0x5FFFF  }
0xad: {  	[dreg:$0x1] =	wrdreg $0xFFFFFFFF  }
0xae: {  	[dreg:$0x0] =	wrdreg $0x60  }
0xaf: {  	[dreg:$0x2] =	wrdreg s2  }
0xb0: {  	[dreg:$0x3] =	wrdreg s18  }
0xb1: {  	[dreg:$0x4] =	wrdreg s24  }
0xb2: {  	[dreg:$0x5] =	wrdreg $0xC1000  }
0xb3: {  	[dreg:$0x6] =	wrdreg $0x9  }
0xb4: {  	_ =	task.clear_ibuf [dreg:s8], $0x7FFFF;
	_ =	strace $0x90000046  }
0xb5: {  	s29 =	simm.s32 $0x9;
	_ =	strace $0x80000048  }
0xb6: {  	_ =	swait.ge [sflag:s29], $0x1  }
0xb7: {  	[sflag:s29] =	ssyncadd.s32 $0xFFFFFFFF  }
0xb8: {  	_ =	strace $0x90000048  }
0xb9: {  	_ =	sfence  }
0xba: {  	s30 =	sld [smem:$0x0];
	_ =	sdelay $0x2  }
0xbb: {  	s31 =	sshll.u32 s1, $0xD;
	s1 =	sshrl.u32 s1, $0x2  }
0xbc: {  	s3 =	sand.u32 $0x4000, s31;
	s1 =	sadd.s32 s1, s30  }
0xbd: {  	s0 =	sor.u32 s3, s0;
	s1 =	sshll.u32 s1, $0x11  }
0xbe: {  	s0 =	sor.u32 s1, s0  }
0xbf: {  	s0 =	sadd.s32 $0x8F2B, s0  }
0xc0: {  	[sflag:s0] =	ssyncadd.remote.s32 $0x1  }
0xc1: {  	_ =	sfence.sel $0xFFFF  }
0xc2: {  	[dreg:$0x0] =	wrdreg $0xFFFFFFFF;
	(pc) =	sbr.abs _section_cstart, $3  }
0xc3: {  	[dreg:$0x1] =	wrdreg $0xFFFFFFFF  }
0xc4: {  	_ =	task.clear_ibuf [dreg:s8], $0x2FFFF;
	_ =	strace $0x9FFFFFFF  }
0xc5: {  	(tm) =	ssettm $0x7FFFFFFF  }
tec
execute0_lowered:
.L_overlay_start_1:
0x0: {  	(tag) =	ssettag $0x1  }
0x1: {  	s0 =	rddreg [dreg:$0x0]  }
0x2: {  	s2 =	rddreg [dreg:$0x1]  }
0x3: {  	s3 =	rddreg [dreg:$0x2]  }
0x4: {  	s1 =	rddreg [dreg:$0x3];
	s4 =	srdreg.scid;
	s5 =	simm.s32 $0x0  }
0x5: {  	s19 =	stileid.u32;
	s6 =	sand.u32 $0x1, s4;
	[smem:$0x7FF] =	sst s5  }
0x6: {  	s7 =	smul.u32 $0x4F000, s19;
	s3 =	sadd.s32 $0x600, s3;
	s9 =	sshll.u32 s19, $0x1  }
0x7: {  	s12 =	smul.u32 $0x13C00, s19;
	p0 =	seq.s32 s19, $0xF;
	s4 =	ssub.s32 $0x2, s6  }
0x8: {  	_ =	strace $0x80000047;
	s16 =	smul.u32 $0x138800, s6;
	s14 =	sshrl.u32 s4, $0x1  }
0x9: {  	s15 =	sshrl.u32 s7, $0x2;
	s13 =	sadd.s32 $0x4000, s12;
	s17 =	sadd.s32 $0x8000, s12  }
0xa: {  	s8 =	ssub.s32 s4, s14;
	s4 =	sor.u32 s6, s9;
	s5 =	sadd.s32 s15, s1  }
0xb: {  	s20 =	sadd.s32 s12, s16;
	s15 =	sadd.s32 s16, s13;
	s22 =	sadd.s32 s16, s17  }
0xc: {  	s7 =	sshrl.u32 s16, $0x3;
	s10 =	sshll.u32 s4, $0xB;
	s11 =	sshll.u32 s4, $0x4  }
0xd: {  	s21 =	sshrl.u32 s15, $0x3;
	s15 =	sshll.u32 s19, $0xC;
	s28 =	sadd.s32 $0x4000, s5  }
0xe: {  	s29 =	sadd.s32 $0x8000, s5;
	s30 =	sadd.s32 $0xC000, s5;
	s10 =	sadd.s32 s0, s10  }
0xf: {  	s18 =	sadd.s32 s2, s11;
	s11 =	sshrl.u32 s20, $0x3;
	[dreg:$0x5] =	wrdreg s10  }
0x10: {  	s20 =	sshll.u32 s6, $0xB;
	s6 =	sshll.u32 s6, $0x4;
	[dreg:$0x6] =	wrdreg s18  }
0x11: {  	s10 =	sor.u32 $0x20, s4;
	s11 =	sadd.s32 s3, s11;
	s18 =	sadd.s32 $0xC000, s12  }
0x12: {  	s12 =	sadd.s32 $0x10000, s12;
	s14 =	sshll.u32 s10, $0xB;
	[dreg:$0x7] =	wrdreg s11  }
0x13: {  	s11 =	sadd.s32 s3, s21;
	s23 =	sadd.s32 s16, s18;
	s25 =	sadd.s32 s16, s12  }
0x14: {  	s10 =	sshll.u32 s10, $0x4;
	s21 =	sshll.u32 s19, $0x5;
	[dreg:$0x8] =	wrdreg s11  }
0x15: {  	s11 =	sshrl.u32 s22, $0x3;
	s24 =	sshrl.u32 s23, $0x3;
	s26 =	sshrl.u32 s25, $0x3  }
0x16: {  	s16 =	sadd.s32 s0, s14;
	s0 =	sadd.s32 s15, s0;
	s10 =	sadd.s32 s2, s10  }
0x17: {  	s2 =	sadd.s32 s21, s2;
	s15 =	ssub.s32 $0x9C4, s9;
	[dreg:$0xc] =	wrdreg s16  }
0x18: {  	s11 =	sadd.s32 s3, s11;
	s0 =	sadd.s32 s20, s0;
	[dreg:$0xd] =	wrdreg s10  }
0x19: {  	s16 =	ssub.s32 $0x9A4, s9;
	s9 =	sadd.s32 s17, s1;
	s10 =	sadd.s32 s18, s1  }
0x1a: {  	s2 =	sadd.s32 s6, s2;
	[dreg:$0x9] =	wrdreg s11;
	s11 =	sadd.s32 s3, s24  }
0x1b: {  	s6 =	sadd.s32 $0x130400, s1;
	[dreg:$0xa] =	wrdreg s11;
	s11 =	sadd.s32 s3, s26  }
0x1c: {  	s3 =	sadd.s32 s3, s7;
	s26 =	smax.u32 s8, $0x1;
	[dreg:$0xb] =	wrdreg s11  }
0x1d: {  	s17 =	sadd.s32 $0x600, s2;
	s22 =	sadd.s32 $0x25080, s3;
	[dreg:$0x13] =	wrdreg s26  }
0x1e: {  	s31 =	sshrl.u32 @!p0 s10, $0x3;
	s23 =	sadd.s32 $0x25880, s3;
	[dreg:$0xe] =	wrdreg s22  }
0x1f: {  	s2 =	sadd.s32 $0x12C400, s1;
	s24 =	sadd.s32 $0x26080, s3;
	[dreg:$0xf] =	wrdreg s23  }
0x20: {  	s10 =	simm.s32 $0x0;
	s25 =	sadd.s32 $0x26880, s3;
	[dreg:$0x10] =	wrdreg s24  }
0x21: {  	s7 =	sadd.s32 s13, s1;
	s3 =	sadd.s32 $0x27080, s3;
	[dreg:$0x11] =	wrdreg s25  }
0x22: {  	s8 =	sadd.s32 $0x10000, s5;
	s11 =	sadd.s32 s12, s1;
	[dreg:$0x12] =	wrdreg s3  }
0x23: {  	s23 =	sadd.s32 $0x30000, s0;
	s0 =	sshrl.u32 @!p0 s7, $0x3;
	s3 =	sshrl.u32 @!p0 s11, $0x3  }
0x24: {  	s7 =	sadd.s32 $0x134400, s1;
	[dreg:$0x14] =	wrdreg s0;
	s0 =	sshrl.u32 @!p0 s9, $0x3  }
0x25: {  	v0 =	vimm.f32 $0.0e+00;
	s9 =	sadd.s32 $0x138400, s1;
	[dreg:$0x15] =	wrdreg s0;
	s0 =	sadd.s32 $0x128400, s1  }
.LBB2_1:
0x26: {  	s12 =	simm.s32 $0x0  }
0x27: {  	s11 =	sand.u32 $0xFE00, s12  }
0x28: {  	s12 =	sand.u32 $0x70, s12;
	s13 =	sshrl.u32 s11, $0x2  }
0x29: {  	s11 =	simm.s32 $0x40;
	s13 =	sor.u32 s12, s13;
	s12 =	simm.s32 $0x0  }
.LBB2_2:
0x2a: {  	p1 =	sne.s32 s11, $0xFFC0  }
0x2b: {  	[tilespmem:s13+$0x8100] =	vst v0;
	s12 =	sadd.s32 $0x10, s12;
	s13 =	smov.u32 s11;
	s11 =	sadd.s32 $0x40, s11  }
.Ltmp0:
0x2c: {  	(pc) =	sbr.rel @p1 .LBB2_2-.Ltmp0, $4  }
0x2d: {  	_ = 	snop  }
0x2e: {  	s13 =	sand.u32 $0xFE00, s13  }
0x2f: {  	s14 =	sand.u32 $0x70, s12;
	s13 =	sshrl.u32 s13, $0x2  }
0x30: {  	s13 =	sor.u32 s14, s13  }
0x31: {  	[tilespmem:s13+$0x8100] =	vst v0;
	s11 =	simm.s32 @p0 $0x8100;
	s12 =	simm.s32 @p0 $0x3  }
0x32: {  	[spmem:s0] =	stream.linear.scatter @p0 [tilespmem:s11], [sflag:$0x3], $0x4000, $0x38;
	[tilespmem:$0x1F980] =	vst v63  }
0x33: {  	_ =	swait.ge @p0 [sflag:s12], $0x4000  }
0x34: {  	[sflag:s12] =	ssyncset.done @p0 $0x0  }
0x35: {  	[sflag:s12] =	ssyncadd.s32 @p0 $0xFFFFC000  }
0x36: {  	[spmem:s2] =	stream.linear.scatter @p0 [tilespmem:s11], [sflag:$0x3], $0x4000, $0x38;
	[tilespmem:$0x1F980] =	vst v63  }
0x37: {  	_ =	swait.ge @p0 [sflag:s12], $0x4000  }
0x38: {  	[sflag:s12] =	ssyncset.done @p0 $0x0  }
0x39: {  	[sflag:s12] =	ssyncadd.s32 @p0 $0xFFFFC000  }
0x3a: {  	[spmem:s6] =	stream.linear.scatter @p0 [tilespmem:s11], [sflag:$0x3], $0x4000, $0x38;
	[tilespmem:$0x1F980] =	vst v63  }
0x3b: {  	_ =	swait.ge @p0 [sflag:s12], $0x4000  }
0x3c: {  	[sflag:s12] =	ssyncset.done @p0 $0x0  }
0x3d: {  	[sflag:s12] =	ssyncadd.s32 @p0 $0xFFFFC000  }
0x3e: {  	[spmem:s7] =	stream.linear.scatter @p0 [tilespmem:s11], [sflag:$0x3], $0x4000, $0x38;
	[tilespmem:$0x1F980] =	vst v63  }
0x3f: {  	_ =	swait.ge @p0 [sflag:s12], $0x4000  }
0x40: {  	[sflag:s12] =	ssyncset.done @p0 $0x0  }
0x41: {  	[sflag:s12] =	ssyncadd.s32 @p0 $0xFFFFC000  }
0x42: {  	[spmem:s9] =	stream.linear.scatter @p0 [tilespmem:s11], [sflag:$0x3], $0x400, $0x38;
	[tilespmem:$0x1F980] =	vst v63  }
0x43: {  	_ =	swait.ge @p0 [sflag:s12], $0x400  }
0x44: {  	[sflag:s12] =	ssyncset.done @p0 $0x0  }
0x45: {  	s11 =	simm.s32 @!p0 $0x8100;
	[sflag:s12] =	ssyncadd.s32 @p0 $0xFFFFFC00;
	s12 =	simm.s32 @!p0 $0x3  }
0x46: {  	[spmem:s5] =	stream.linear.scatter @!p0 [tilespmem:s11], [sflag:$0x3], $0x4000, $0x38;
	[tilespmem:$0x1F980] =	vst v63  }
0x47: {  	_ =	swait.ge @!p0 [sflag:s12], $0x4000  }
0x48: {  	[sflag:s12] =	ssyncset.done @!p0 $0x0  }
0x49: {  	[sflag:s12] =	ssyncadd.s32 @!p0 $0xFFFFC000  }
0x4a: {  	[spmem:s28] =	stream.linear.scatter @!p0 [tilespmem:s11], [sflag:$0x3], $0x4000, $0x38;
	[tilespmem:$0x1F980] =	vst v63  }
0x4b: {  	_ =	swait.ge @!p0 [sflag:s12], $0x4000  }
0x4c: {  	[sflag:s12] =	ssyncset.done @!p0 $0x0  }
0x4d: {  	[sflag:s12] =	ssyncadd.s32 @!p0 $0xFFFFC000  }
0x4e: {  	[spmem:s29] =	stream.linear.scatter @!p0 [tilespmem:s11], [sflag:$0x3], $0x4000, $0x38;
	[tilespmem:$0x1F980] =	vst v63  }
0x4f: {  	_ =	swait.ge @!p0 [sflag:s12], $0x4000  }
0x50: {  	[sflag:s12] =	ssyncset.done @!p0 $0x0  }
0x51: {  	[sflag:s12] =	ssyncadd.s32 @!p0 $0xFFFFC000  }
0x52: {  	[spmem:s30] =	stream.linear.scatter @!p0 [tilespmem:s11], [sflag:$0x3], $0x4000, $0x38;
	[tilespmem:$0x1F980] =	vst v63  }
0x53: {  	_ =	swait.ge @!p0 [sflag:s12], $0x4000  }
0x54: {  	[sflag:s12] =	ssyncset.done @!p0 $0x0  }
0x55: {  	[sflag:s12] =	ssyncadd.s32 @!p0 $0xFFFFC000  }
0x56: {  	[spmem:s8] =	stream.linear.scatter @!p0 [tilespmem:s11], [sflag:$0x3], $0x3C00, $0x38;
	[tilespmem:$0x1F980] =	vst v63  }
0x57: {  	_ =	swait.ge @!p0 [sflag:s12], $0x3C00  }
0x58: {  	[sflag:s12] =	ssyncset.done @!p0 $0x0  }
0x59: {  	[sflag:s12] =	ssyncadd.s32 @!p0 $0xFFFFC400  }
0x5a: {  	[bflag:$0x0] =	sbarrier.arrive $0xFFFF  }
0x5b: {  	s26 =	simm.s32 $0x0;
	s14 =	rddreg [dreg:$0x5]  }
0x5c: {  	[tilespmem:s26], [sflag:$0x1] =	stream.linear.gather [hbm4b:s14+s26], $0x4000, $0x38;
	[tilespmem:$0x1F980] =	vst v63  }
0x5d: {  	s19 =	simm.s32 $0x8000;
	p1 =	sle.u32 s15, $0x0;
	s18 =	rddreg [dreg:$0x6]  }
0x5e: {  	[tilespmem:s19], [sflag:$0x1] =	stream.linear.gather [hbm4b:s18+s26], $0x80, $0x38;
	[tilespmem:$0x1F980] =	vst v63  }
0x5f: {  	s21 =	simm.s32 $0x4000;
	p1 =	por p1, p1;
	s20 =	rddreg [dreg:$0xc]  }
0x60: {  	[tilespmem:s21], [sflag:$0x2] =	stream.linear.gather [hbm4b:s20+s26], $0x4000, $0x38;
	[tilespmem:$0x1F980] =	vst v63  }
0x61: {  	s24 =	simm.s32 $0x8080;
	s11 =	simm.s32 @!p1 $0x1;
	s22 =	rddreg [dreg:$0xd]  }
0x62: {  	[tilespmem:s24], [sflag:$0x2] =	stream.linear.gather [hbm4b:s22+s26], $0x80, $0x38;
	[tilespmem:$0x1F980] =	vst v63  }
0x63: {  	_ =	swait.ge @!p1 [sflag:s11], $0x4000  }
0x64: {  	[sflag:s11] =	ssyncset.done @!p1 $0x0  }
0x65: {  	[sflag:s11] =	ssyncadd.s32 @!p1 $0xFFFFC000  }
0x66: {  	s25 =	sadd.s32 $0x0, s4;
	_ =	swait.ge @!p1 [sflag:s11], $0x80  }
0x67: {  	s13 =	simm.s32 @!p1 $0x0;
	s14 =	simm.s32 @!p1 $0x3;
	[sflag:s11] =	ssyncset.done @!p1 $0x0  }
0x68: {  	s18 =	simm.s32 @!p1 $0x8000;
	[sflag:s11] =	ssyncadd.s32 @!p1 $0xFFFFFF80;
	s11 =	simm.s32 @!p1 $0x80  }
0x69: {  	[spmem:s1] =	stream.indirect.scatter.add.f32 @!p1 [tilespmem:s13], [sflag:$0x3], $0x80, s18, s11, $0xb8;
	[tilespmem:$0x1F980] =	vst v63  }
0x6a: {  	s26 =	sadd.s32 $0x40, s25;
	_ =	swait.ge @!p1 [sflag:s14], $0x4000  }
0x6b: {  	p2 =	sgt.u32 s26, $0x9C3;
	[sflag:s14] =	ssyncset.done @!p1 $0x0  }
0x6c: {  	s11 =	sadd.s32 @!p2 $0xFFFF0000, s23;
	s13 =	simm.s32 @!p2 $0x0;
	[sflag:s14] =	ssyncadd.s32 @!p1 $0xFFFFC000  }
0x6d: {  	[tilespmem:s13], [sflag:$0x1] =	stream.linear.gather @!p2 [hbm4b:s11+s13], $0x4000, $0x38;
	[tilespmem:$0x1F980] =	vst v63  }
0x6e: {  	s14 =	simm.s32 @!p2 $0x8000;
	p1 =	sle.u32 s16, $0x0;
	s11 =	sadd.s32 @!p2 $0xFFFFFE00, s17  }
0x6f: {  	[tilespmem:s14], [sflag:$0x1] =	stream.linear.gather @!p2 [hbm4b:s11+s13], $0x80, $0x38;
	[tilespmem:$0x1F980] =	vst v63  }
0x70: {  	s11 =	simm.s32 @!p1 $0x2  }
0x71: {  	_ =	swait.ge @!p1 [sflag:s11], $0x4000  }
0x72: {  	[sflag:s11] =	ssyncset.done @!p1 $0x0  }
0x73: {  	s12 =	sadd.s32 $0x60, s25;
	[sflag:s11] =	ssyncadd.s32 @!p1 $0xFFFFC000  }
0x74: {  	p6 =	sle.u32 s15, $0x40;
	p4 =	sgt.u32 s12, $0x9C3;
	_ =	swait.ge @!p1 [sflag:s11], $0x80  }
0x75: {  	s18 =	simm.s32 @!p1 $0x8080;
	s13 =	simm.s32 @!p1 $0x4000;
	[sflag:s11] =	ssyncset.done @!p1 $0x0  }
0x76: {  	s14 =	simm.s32 @!p1 $0x80;
	[sflag:s11] =	ssyncadd.s32 @!p1 $0xFFFFFF80;
	s11 =	simm.s32 @!p1 $0x3  }
0x77: {  	[spmem:s1] =	stream.indirect.scatter.add.f32 @!p1 [tilespmem:s13], [sflag:$0x3], $0x80, s18, s14, $0xb8;
	[tilespmem:$0x1F980] =	vst v63  }
0x78: {  	s12 =	simm.s32 @!p4 $0x4000;
	s19 =	simm.s32 @!p4 $0x0;
	_ =	swait.ge @!p1 [sflag:s11], $0x4000  }
0x79: {  	s20 =	simm.s32 @!p4 $0x8080;
	s24 =	smov.u32 s17;
	[sflag:s11] =	ssyncset.done @!p1 $0x0  }
0x7a: {  	s13 =	simm.s32 $0x40;
	s14 =	simm.s32 $0x80;
	[sflag:s11] =	ssyncadd.s32 @!p1 $0xFFFFC000  }
0x7b: {  	[tilespmem:s12], [sflag:$0x2] =	stream.linear.gather @!p4 [hbm4b:s23+s19], $0x4000, $0x38;
	[tilespmem:$0x1F980] =	vst v63  }
0x7c: {  	p1 =	por p6, p6;
	s11 =	sadd.s32 $0x400, s17;
	s12 =	sadd.s32 $0x20000, s23  }
.LBB2_4:
0x7d: {  	p3 =	sge.u32 s14, s15;
	s21 =	simm.s32 @!p1 $0x1  }
0x7e: {  	s22 =	smov.u32 s14;
	s14 =	sadd.s32 $0x40, s14;
	s18 =	smov.u32 s12  }
0x7f: {  	[tilespmem:s20], [sflag:$0x2] =	stream.linear.gather @!p4 [hbm4b:s24+s19], $0x80, $0x38;
	[tilespmem:$0x1F980] =	vst v63  }
0x80: {  	p2 =	sne.s32 s14, $0xA00;
	s24 =	smov.u32 s11;
	_ =	swait.ge @!p1 [sflag:s21], $0x4000  }
0x81: {  	[sflag:s21] =	ssyncset.done @!p1 $0x0  }
0x82: {  	[sflag:s21] =	ssyncadd.s32 @!p1 $0xFFFFC000  }
0x83: {  	s19 =	sadd.s32 s13, s4;
	_ =	swait.ge @!p1 [sflag:s21], $0x80  }
0x84: {  	s25 =	simm.s32 @!p1 $0x3;
	s20 =	simm.s32 @!p1 $0x0;
	[sflag:s21] =	ssyncset.done @!p1 $0x0  }
0x85: {  	s26 =	simm.s32 @!p1 $0x8000;
	[sflag:s21] =	ssyncadd.s32 @!p1 $0xFFFFFF80;
	s21 =	simm.s32 @!p1 $0x80  }
0x86: {  	[spmem:s1] =	stream.indirect.scatter.add.f32 @!p1 [tilespmem:s20], [sflag:$0x3], $0x80, s26, s21, $0xb8;
	[tilespmem:$0x1F980] =	vst v63  }
0x87: {  	s20 =	sadd.s32 $0x40, s19;
	s19 =	sadd.s32 $0x60, s19;
	_ =	swait.ge @!p1 [sflag:s25], $0x4000  }
0x88: {  	p4 =	sgt.u32 s20, $0x9C3;
	[sflag:s25] =	ssyncset.done @!p1 $0x0  }
0x89: {  	s20 =	sadd.s32 @!p4 $0xFFFF0000, s12;
	s21 =	simm.s32 @!p4 $0x0;
	[sflag:s25] =	ssyncadd.s32 @!p1 $0xFFFFC000  }
0x8a: {  	[tilespmem:s21], [sflag:$0x1] =	stream.linear.gather @!p4 [hbm4b:s20+s21], $0x4000, $0x38;
	[tilespmem:$0x1F980] =	vst v63  }
0x8b: {  	p5 =	sge.u32 s13, s16;
	s25 =	simm.s32 @!p4 $0x8000;
	s20 =	sadd.s32 @!p4 $0xFFFFFE00, s11  }
0x8c: {  	[tilespmem:s25], [sflag:$0x1] =	stream.linear.gather @!p4 [hbm4b:s20+s21], $0x80, $0x38;
	[tilespmem:$0x1F980] =	vst v63  }
0x8d: {  	s13 =	smov.u32 s22;
	p1 =	por p3, p3;
	s20 =	simm.s32 @!p5 $0x2  }
0x8e: {  	_ =	swait.ge @!p5 [sflag:s20], $0x4000  }
0x8f: {  	[sflag:s20] =	ssyncset.done @!p5 $0x0  }
0x90: {  	[sflag:s20] =	ssyncadd.s32 @!p5 $0xFFFFC000  }
0x91: {  	s21 =	simm.s32 @!p5 $0x4000;
	_ =	swait.ge @!p5 [sflag:s20], $0x80  }
0x92: {  	s22 =	simm.s32 @!p5 $0x80;
	s25 =	simm.s32 @!p5 $0x8080;
	[sflag:s20] =	ssyncset.done @!p5 $0x0  }
0x93: {  	[sflag:s20] =	ssyncadd.s32 @!p5 $0xFFFFFF80;
	s20 =	simm.s32 @!p5 $0x3  }
0x94: {  	[spmem:s1] =	stream.indirect.scatter.add.f32 @!p5 [tilespmem:s21], [sflag:$0x3], $0x80, s25, s22, $0xb8;
	[tilespmem:$0x1F980] =	vst v63  }
.Ltmp1:
0x95: {  	_ = 	snop;
	(pc) =	sbr.rel @p2 .LBB2_4-.Ltmp1, $4  }
0x96: {  	s11 =	sadd.s32 $0x400, s11;
	p4 =	sgt.u32 s19, $0x9C3;
	_ =	swait.ge @!p5 [sflag:s20], $0x4000  }
0x97: {  	s19 =	simm.s32 @!p4 $0x0;
	s21 =	simm.s32 @!p4 $0x4000;
	[sflag:s20] =	ssyncset.done @!p5 $0x0  }
0x98: {  	s12 =	sadd.s32 $0x20000, s12;
	[sflag:s20] =	ssyncadd.s32 @!p5 $0xFFFFC000;
	s20 =	simm.s32 @!p4 $0x8080  }
0x99: {  	[tilespmem:s21], [sflag:$0x2] =	stream.linear.gather @!p4 [hbm4b:s18+s19], $0x4000, $0x38;
	[tilespmem:$0x1F980] =	vst v63  }
0x9a: {  	[tilespmem:s20], [sflag:$0x2] =	stream.linear.gather @!p4 [hbm4b:s24+s19], $0x80, $0x38;
	[tilespmem:$0x1F980] =	vst v63  }
0x9b: {  	s14 =	simm.s32 @!p1 $0x1  }
0x9c: {  	_ =	swait.ge @!p1 [sflag:s14], $0x4000  }
0x9d: {  	[sflag:s14] =	ssyncset.done @!p1 $0x0  }
0x9e: {  	[sflag:s14] =	ssyncadd.s32 @!p1 $0xFFFFC000  }
0x9f: {  	_ =	swait.ge @!p1 [sflag:s14], $0x80  }
0xa0: {  	s18 =	simm.s32 @!p1 $0x0;
	[sflag:s14] =	ssyncset.done @!p1 $0x0  }
0xa1: {  	s19 =	simm.s32 @!p1 $0x8000;
	[sflag:s14] =	ssyncadd.s32 @!p1 $0xFFFFFF80;
	s14 =	simm.s32 @!p1 $0x80  }
0xa2: {  	[spmem:s1] =	stream.indirect.scatter.add.f32 @!p1 [tilespmem:s18], [sflag:$0x3], $0x80, s19, s14, $0xb8;
	[tilespmem:$0x1F980] =	vst v63  }
0xa3: {  	s24 =	sadd.s32 s13, s4;
	s18 =	simm.s32 @!p1 $0x3  }
0xa4: {  	s25 =	sadd.s32 $0x40, s24;
	_ =	swait.ge @!p1 [sflag:s18], $0x4000  }
0xa5: {  	p2 =	sgt.u32 s25, $0x9C3;
	[sflag:s18] =	ssyncset.done @!p1 $0x0  }
0xa6: {  	s19 =	simm.s32 @!p2 $0x0;
	[sflag:s18] =	ssyncadd.s32 @!p1 $0xFFFFC000;
	s18 =	sadd.s32 @!p2 $0xFFFF0000, s12  }
0xa7: {  	[tilespmem:s19], [sflag:$0x1] =	stream.linear.gather @!p2 [hbm4b:s18+s19], $0x4000, $0x38;
	[tilespmem:$0x1F980] =	vst v63  }
0xa8: {  	p1 =	sge.u32 s13, s16;
	s13 =	simm.s32 @!p2 $0x8000;
	s18 =	sadd.s32 @!p2 $0xFFFFFE00, s11  }
0xa9: {  	[tilespmem:s13], [sflag:$0x1] =	stream.linear.gather @!p2 [hbm4b:s18+s19], $0x80, $0x38;
	[tilespmem:$0x1F980] =	vst v63  }
0xaa: {  	s13 =	simm.s32 @!p1 $0x2  }
0xab: {  	_ =	swait.ge @!p1 [sflag:s13], $0x4000  }
0xac: {  	[sflag:s13] =	ssyncset.done @!p1 $0x0  }
0xad: {  	[sflag:s13] =	ssyncadd.s32 @!p1 $0xFFFFC000  }
0xae: {  	_ =	swait.ge @!p1 [sflag:s13], $0x80  }
0xaf: {  	s18 =	simm.s32 @!p1 $0x4000;
	[sflag:s13] =	ssyncset.done @!p1 $0x0  }
0xb0: {  	s19 =	simm.s32 @!p1 $0x80;
	[sflag:s13] =	ssyncadd.s32 @!p1 $0xFFFFFF80;
	s13 =	simm.s32 @!p1 $0x8080  }
0xb1: {  	[spmem:s1] =	stream.indirect.scatter.add.f32 @!p1 [tilespmem:s18], [sflag:$0x3], $0x80, s13, s19, $0xb8;
	[tilespmem:$0x1F980] =	vst v63  }
0xb2: {  	s13 =	simm.s32 @!p1 $0x3  }
0xb3: {  	s14 =	sadd.s32 $0x60, s24;
	_ =	swait.ge @!p1 [sflag:s13], $0x4000  }
0xb4: {  	p2 =	sgt.u32 s14, $0x9C3;
	[sflag:s13] =	ssyncset.done @!p1 $0x0  }
0xb5: {  	s14 =	simm.s32 @!p2 $0x0;
	[sflag:s13] =	ssyncadd.s32 @!p1 $0xFFFFC000;
	s13 =	simm.s32 @!p2 $0x4000  }
0xb6: {  	[tilespmem:s13], [sflag:$0x2] =	stream.linear.gather @!p2 [hbm4b:s12+s14], $0x4000, $0x38;
	[tilespmem:$0x1F980] =	vst v63  }
0xb7: {  	s12 =	simm.s32 @!p2 $0x8080  }
0xb8: {  	[tilespmem:s12], [sflag:$0x2] =	stream.linear.gather @!p2 [hbm4b:s11+s14], $0x80, $0x38;
	[tilespmem:$0x1F980] =	vst v63  }
0xb9: {  	[bflag:$0x0] =	sbarrier.arrive $0xFFFF  }
0xba: {  	s11 =	sshrl.u32 @p0 s0, $0x3;
	s12 =	simm.s32 @p0 $0x1FC3;
	s13 =	rddreg [dreg:$0xe]  }
0xbb: {  	[hbm:s13], [sflag:s12] =	dma.local @p0 [spmem:s11], $0x800  }
0xbc: {  	s11 =	simm.s32 @p0 $0x3  }
0xbd: {  	_ =	swait.ge @p0 [sflag:s11], $0x800  }
0xbe: {  	[sflag:s11] =	ssyncset.done @p0 $0x0  }
0xbf: {  	s13 =	sshrl.u32 @p0 s2, $0x3;
	s14 =	rddreg [dreg:$0xf];
	[sflag:s11] =	ssyncadd.s32 @p0 $0xFFFFF800  }
0xc0: {  	[hbm:s14], [sflag:s12] =	dma.local @p0 [spmem:s13], $0x800  }
0xc1: {  	_ =	swait.ge @p0 [sflag:s11], $0x800  }
0xc2: {  	[sflag:s11] =	ssyncset.done @p0 $0x0  }
0xc3: {  	s13 =	sshrl.u32 @p0 s6, $0x3;
	s14 =	rddreg [dreg:$0x10];
	[sflag:s11] =	ssyncadd.s32 @p0 $0xFFFFF800  }
0xc4: {  	[hbm:s14], [sflag:s12] =	dma.local @p0 [spmem:s13], $0x800  }
0xc5: {  	_ =	swait.ge @p0 [sflag:s11], $0x800  }
0xc6: {  	[sflag:s11] =	ssyncset.done @p0 $0x0  }
0xc7: {  	s13 =	sshrl.u32 @p0 s7, $0x3;
	s14 =	rddreg [dreg:$0x11];
	[sflag:s11] =	ssyncadd.s32 @p0 $0xFFFFF800  }
0xc8: {  	[hbm:s14], [sflag:s12] =	dma.local @p0 [spmem:s13], $0x800  }
0xc9: {  	_ =	swait.ge @p0 [sflag:s11], $0x800  }
0xca: {  	[sflag:s11] =	ssyncset.done @p0 $0x0  }
0xcb: {  	s13 =	sshrl.u32 @p0 s9, $0x3;
	s14 =	rddreg [dreg:$0x12];
	[sflag:s11] =	ssyncadd.s32 @p0 $0xFFFFF800  }
0xcc: {  	[hbm:s14], [sflag:s12] =	dma.local @p0 [spmem:s13], $0x80  }
0xcd: {  	s12 =	stileid.u32;
	_ =	swait.ge @p0 [sflag:s11], $0x80  }
0xce: {  	s12 =	sshll.u32 @!p0 s12, $0x6;
	[sflag:s11] =	ssyncset.done @p0 $0x0;
	s13 =	rddreg [dreg:$0x7]  }
0xcf: {  	[sflag:s11] =	ssyncadd.s32 @p0 $0xFFFFFF80;
	s11 =	sor.u32 @!p0 $0x1C03, s12;
	s12 =	sshrl.u32 @!p0 s5, $0x3  }
0xd0: {  	[hbm:s13], [sflag:s11] =	dma.local @!p0 [spmem:s12], $0x800  }
0xd1: {  	s12 =	simm.s32 @!p0 $0x3  }
0xd2: {  	_ =	swait.ge @!p0 [sflag:s12], $0x800  }
0xd3: {  	[sflag:s12] =	ssyncset.done @!p0 $0x0;
	s13 =	rddreg [dreg:$0x8]  }
0xd4: {  	s14 =	rddreg [dreg:$0x14];
	[sflag:s12] =	ssyncadd.s32 @!p0 $0xFFFFF800  }
0xd5: {  	[hbm:s13], [sflag:s11] =	dma.local @!p0 [spmem:s14], $0x800  }
0xd6: {  	_ =	swait.ge @!p0 [sflag:s12], $0x800  }
0xd7: {  	[sflag:s12] =	ssyncset.done @!p0 $0x0;
	s13 =	rddreg [dreg:$0x9]  }
0xd8: {  	s14 =	rddreg [dreg:$0x15];
	[sflag:s12] =	ssyncadd.s32 @!p0 $0xFFFFF800  }
0xd9: {  	[hbm:s13], [sflag:s11] =	dma.local @!p0 [spmem:s14], $0x800  }
0xda: {  	_ =	swait.ge @!p0 [sflag:s12], $0x800  }
0xdb: {  	[sflag:s12] =	ssyncset.done @!p0 $0x0  }
0xdc: {  	s13 =	rddreg [dreg:$0xa];
	[sflag:s12] =	ssyncadd.s32 @!p0 $0xFFFFF800  }
0xdd: {  	[hbm:s13], [sflag:s11] =	dma.local @!p0 [spmem:s31], $0x800  }
0xde: {  	_ =	swait.ge @!p0 [sflag:s12], $0x800  }
0xdf: {  	[sflag:s12] =	ssyncset.done @!p0 $0x0  }
0xe0: {  	s13 =	rddreg [dreg:$0xb];
	[sflag:s12] =	ssyncadd.s32 @!p0 $0xFFFFF800  }
0xe1: {  	[hbm:s13], [sflag:s11] =	dma.local @!p0 [spmem:s3], $0x780  }
0xe2: {  	_ =	swait.ge @!p0 [sflag:s12], $0x780  }
0xe3: {  	s10 =	sadd.s32 $0x1, s10;
	s26 =	rddreg [dreg:$0x13]  }
0xe4: {  	p1 =	sne.s32 s10, s26  }
.Ltmp2:
0xe5: {  	_ = 	snop;
	(pc) =	sbr.rel @p1 .LBB2_1-.Ltmp2, $3  }
0xe6: {  	_ =	sdelay $0x1  }
0xe7: {  	[sflag:s12] =	ssyncset.done @!p0 $0x0  }
0xe8: {  	[sflag:s12] =	ssyncadd.s32 @!p0 $0xFFFFF880  }
0xe9: {  	_ =	sfence.sel $0x180000  }
0xea: {  	[bflag:$0x0] =	sbarrier.arrive $0xFFFF  }
0xeb: {  	_ =	strace $0x90000047  }
0xec: {  	s0 =	stileid.u32;
	[bflag:$0x2] =	sbarrier.arrive $0xFFFF  }
0xed: {  	p0 =	sne.s32 s0, $0x0;
	s0 =	rddreg [dreg:$0x4]  }
0xee: {  	s0 =	sadd.s32 @!p0 $0x100000, s0  }
0xef: {  	[sflag:s0] =	ssyncadd.tile.s32 @!p0 $0x1;
	_ =	shalt  }
.Lfunc_end2:
_tile_overlayer_lowered:
.L_overlay_start_2:
0xf0: {  	(tag) =	ssettag $0x2  }
0xf1: {  	s0 =	rddreg [dreg:$0x0];
	s2 =	stileid.u32  }
0xf2: {  	s1 =	rddreg [dreg:$0x1];
	p0 =	sne.s32 s2, $0x0  }
0xf3: {  	s3 =	rddreg [dreg:$0x2];
	[bflag:$0x3] =	sbarrier.arrive $0xFFFF;
	s2 =	simm.s32 @!p0 $0x1C03  }
0xf4: {  	[timem:s3], [sflag:s2] =	dma.local @!p0 [hbm:s0], s1  }
0xf5: {  	s0 =	simm.s32 @!p0 $0x3  }
0xf6: {  	_ =	swait.ge @!p0 [sflag:s0], s1  }
0xf7: {  	s1 =	ssub.s32 @!p0 $0x0, s1;
	[sflag:s0] =	ssyncset.done @!p0 $0x0  }
0xf8: {  	[sflag:s0] =	ssyncadd.s32 @!p0 s1  }
0xf9: {  	[bflag:$0x3] =	sbarrier.arrive $0xFFFF  }
0xfa: {  	_ =	shalt  }

</sc_bundles>
